<compile_context>
chip_gen: v7x
topology: tpu7x:2x2x1
jax: 0.10.2.dev20260603
libtpu: 0.0.44.dev20260713+nightly
codegen_flags: <defaults>
</compile_context>

<pallas_src>
import functools

import jax
import jax.numpy as jnp
import numpy as np
from jax import lax
from jax.experimental import pallas as pl
from jax.experimental.pallas import tpu as pltpu
from jax.experimental.pallas import tpu_sc as plsc

D_MODEL = 64
DPAD = 128
SEQ_LEN = 2048
BATCH = 16

NUM_CORES = 2
NUM_SUBCORES = 16
NW = NUM_CORES * NUM_SUBCORES
ROWS_PER_W = (SEQ_LEN * BATCH) // NW
POS_PER_W = SEQ_LEN // NW
CHUNK = 128
NCHUNK = ROWS_PER_W // CHUNK
NBUF = 2
POS_PER_CHUNK = CHUNK // BATCH


def _make_pe_np(max_len, d_model):
    position = np.arange(0, max_len, dtype=np.float32)[:, None]
    div_term = np.exp(
        np.arange(0, d_model, 2).astype(np.float32) * (-np.log(10000.0) / d_model)
    )
    pe = np.zeros((max_len, d_model), dtype=np.float32)
    pe[:, 0::2] = np.sin(position * div_term)
    pe[:, 1::2] = np.cos(position * div_term)
    return pe


_PE = _make_pe_np(SEQ_LEN, D_MODEL)


def _sc_body(x_hbm, w_hbm, pe_hbm, out_hbm, idx_v, rows_v, pe_v, sems, sem_out):
    wid = lax.axis_index("s") * NUM_CORES + lax.axis_index("c")
    base = wid * ROWS_PER_W

    pltpu.sync_copy(x_hbm.at[wid], idx_v)
    for j in range(NBUF):
        pltpu.async_copy(
            w_hbm.at[idx_v.at[j]], rows_v.at[pl.ds(j * CHUNK, CHUNK)], sems[j]
        )
    pltpu.sync_copy(pe_hbm.at[pl.ds(wid * POS_PER_W, POS_PER_W)], pe_v)

    def half(j, slot):
        pltpu.make_async_copy(
            w_hbm.at[pl.ds(0, CHUNK)],
            rows_v.at[pl.ds(slot * CHUNK, CHUNK)],
            sems[slot],
        ).wait()

        def body(p, carry):
            pe_regs = [pe_v[j * POS_PER_CHUNK + p, pl.ds(c * 16, 16)]
                       for c in range(D_MODEL // 16)]
            for r in range(BATCH):
                row = slot * CHUNK + p * BATCH + r
                for c in range(D_MODEL // 16):
                    rows_v[row, pl.ds(c * 16, 16)] += pe_regs[c]
            return carry

        lax.fori_loop(0, POS_PER_CHUNK, body, 0)

        pltpu.async_copy(
            rows_v.at[pl.ds(slot * CHUNK, CHUNK), pl.ds(0, D_MODEL)],
            out_hbm.at[pl.ds(base + j * CHUNK, CHUNK), pl.ds(0, D_MODEL)],
            sem_out,
        )

        @pl.when(j + NBUF < NCHUNK)
        def _():
            pltpu.make_async_copy(
                rows_v.at[pl.ds(slot * CHUNK, CHUNK), pl.ds(0, D_MODEL)],
                out_hbm.at[pl.ds(base + j * CHUNK, CHUNK), pl.ds(0, D_MODEL)],
                sem_out,
            ).wait()
            pltpu.async_copy(
                w_hbm.at[idx_v.at[j + NBUF]],
                rows_v.at[pl.ds(slot * CHUNK, CHUNK)],
                sems[slot],
            )

    def loop(j2, carry):
        half(NBUF * 0 + j2 * NBUF, 0)
        half(j2 * NBUF + 1, 1)
        return carry

    lax.fori_loop(0, NCHUNK // NBUF, loop, 0)

    for j in range(NCHUNK - NBUF, NCHUNK):
        pltpu.make_async_copy(
            rows_v.at[pl.ds((j % NBUF) * CHUNK, CHUNK), pl.ds(0, D_MODEL)],
            out_hbm.at[pl.ds(base + j * CHUNK, CHUNK), pl.ds(0, D_MODEL)],
            sem_out,
        ).wait()


@jax.jit
def kernel(x, W):
    x_blocks = x.reshape(NW, NCHUNK, CHUNK)
    w_wide = jnp.pad(W, ((0, 0), (0, DPAD - D_MODEL)))
    mesh = plsc.VectorSubcoreMesh(core_axis_name="c", subcore_axis_name="s")
    run = functools.partial(
        pl.kernel,
        mesh=mesh,
        compiler_params=pltpu.CompilerParams(
            use_tc_tiling_on_sc=False,
            disable_bounds_checks=True,
            disable_semaphore_checks=True,
            skip_device_barrier=True,
        ),
        out_type=jax.ShapeDtypeStruct((SEQ_LEN * BATCH, DPAD), jnp.float32),
        scratch_types=[
            pltpu.VMEM((NCHUNK, CHUNK), jnp.int32),
            pltpu.VMEM((NBUF * CHUNK, DPAD), jnp.float32),
            pltpu.VMEM((POS_PER_W, D_MODEL), jnp.float32),
            [pltpu.SemaphoreType.DMA] * NBUF,
            pltpu.SemaphoreType.DMA,
        ],
    )(_sc_body)
    out = run(x_blocks, w_wide, jnp.asarray(_PE))
    return out[:, :D_MODEL].reshape(SEQ_LEN, BATCH, D_MODEL)

# --- scband reference (transcript-rebuilt; emitter-appended) ---
"""Pipeline reference for scband-full-embedding-9371618639902 (READ-ONLY COPY).

The authoritative reference and input builder live on the scoring server;
editing this copy changes nothing except your own understanding.
"""

import jax, jax.numpy as jnp
import numpy as np

D_MODEL = 64
MAX_LEN = 2048
NUM_TOKENS = 100000
SEQ_LEN = 2048
BATCH = 16


def _make_pe(max_len, d_model):
    # Faithful reproduction of PositionalEncoding buffer construction ('sin' type).
    position = np.arange(0, max_len, dtype=np.float32)[:, None]
    div_term = np.exp(np.arange(0, d_model, 2).astype(np.float32) * (-np.log(10000.0) / d_model))
    pe = np.zeros((max_len, d_model), dtype=np.float32)
    pe[:, 0::2] = np.sin(position * div_term)
    pe[:, 1::2] = np.cos(position * div_term)
    # unsqueeze(0).transpose(0,1) -> [max_len, 1, d_model]
    return jnp.asarray(pe[:, None, :])


def setup_inputs(seed: int = 0) -> dict:
    key = jax.random.key(seed)
    k1, k2 = jax.random.split(key)
    x = jax.random.randint(k1, (SEQ_LEN, BATCH), 0, NUM_TOKENS, dtype=jnp.int32)
    W = jax.random.normal(k2, (NUM_TOKENS, D_MODEL), dtype=jnp.float32)
    return {"x": x, "W": W}


def reference(x, W):
    # FullEmbedding.forward: res = word(x); return pos(res)
    res = jnp.take(W, x, axis=0)  # embedding lookup -> [seq_len, batch, d_model]
    pe = _make_pe(MAX_LEN, D_MODEL)
    # PositionalEncoding.forward: x + pe[:x.size(0)]; dropout(p=0.0) is identity
    out = res + pe[: res.shape[0]]
    return out

if __name__ == "__main__":
    import jax
    _d = setup_inputs()
    print(jax.jit(kernel)(*tuple(_d.values())))

</pallas_src>

<mosaic_0001>
#map = affine_map<(d0, d1) -> (0, 0, 0)>
#map1 = affine_map<(d0, d1) -> (0, 0)>
module attributes {stable_mosaic.version = 14 : i64} {
  func.func @_sc_body(%arg0: i32, %arg1: i32, %arg2: memref<32x8x128xi32, #tpu.memory_space<hbm>>, %arg3: memref<100000x128xf32, #tpu.memory_space<hbm>>, %arg4: memref<2048x64xf32, #tpu.memory_space<hbm>>, %arg5: memref<32768x128xf32, #tpu.memory_space<hbm>>, %arg6: memref<8x128xi32, #tpu.memory_space<vmem>>, %arg7: memref<256x128xf32, #tpu.memory_space<vmem>>, %arg8: memref<64x64xf32, #tpu.memory_space<vmem>>, %arg9: memref<!tpu.dma_semaphore, #tpu.memory_space<semaphore_mem>>, %arg10: memref<!tpu.dma_semaphore, #tpu.memory_space<semaphore_mem>>, %arg11: memref<!tpu.dma_semaphore, #tpu.memory_space<semaphore_mem>>) attributes {dimension_semantics = [#tpu.dimension_semantics<core_parallel>, #tpu.dimension_semantics<subcore_parallel>], iteration_bounds = array<i64: 2, 16>, scalar_prefetch = 0 : i64, scratch_operands = 6 : i64, tpu.core_type = #tpu.core_type<sc_vector_subcore>, window_params = [{transform_indices = #map}, {transform_indices = #map1}, {transform_indices = #map1}, {transform_indices = #map1}]} {
    %mul3A = arith.constant 2 : i32
    %mul3A_0 = arith.muli %arg1, %mul3A : i32
    %add3A = arith.addi %mul3A_0, %arg0 : i32
    %mul3A_1 = arith.constant 1024 : i32
    %mul3A_2 = arith.muli %add3A, %mul3A_1 : i32
    "tpu.region"() ({
      %run_scoped3A = tpu.sem_alloc : memref<!tpu.dma_semaphore, #tpu.memory_space<semaphore_mem>>
      %dma_start3A_52 = arith.constant 0 : i32
      %dma_start3A_53 = arith.constant 0 : i32
      %dma_start3A_54 = tpu.memref_slice %arg2[%add3A, %dma_start3A_52, %dma_start3A_53] : memref<32x8x128xi32, #tpu.memory_space<hbm>> -> memref<1x8x128xi32, #tpu.memory_space<hbm>>
      %dma_start3A_55 = tpu.memref_squeeze %dma_start3A_54 : memref<1x8x128xi32, #tpu.memory_space<hbm>> -> memref<8x128xi32, #tpu.memory_space<hbm>>
      %dma_start3A_56 = arith.constant 0 : i32
      %dma_start3A_57 = arith.constant 0 : i32
      %dma_start3A_58 = tpu.memref_slice %arg2[%add3A, %dma_start3A_56, %dma_start3A_57] : memref<32x8x128xi32, #tpu.memory_space<hbm>> -> memref<1x8x128xi32, #tpu.memory_space<hbm>>
      %dma_start3A_59 = tpu.memref_squeeze %dma_start3A_58 : memref<1x8x128xi32, #tpu.memory_space<hbm>> -> memref<8x128xi32, #tpu.memory_space<hbm>>
      tpu.enqueue_dma source(%dma_start3A_59 : memref<8x128xi32, #tpu.memory_space<hbm>>) target(%arg6 : memref<8x128xi32, #tpu.memory_space<vmem>>) target_semaphore(%run_scoped3A : memref<!tpu.dma_semaphore, #tpu.memory_space<semaphore_mem>>)
      %dma_wait3A_60 = arith.constant 0 : i32
      %dma_wait3A_61 = arith.constant 0 : i32
      %dma_wait3A_62 = tpu.memref_slice %arg2[%add3A, %dma_wait3A_60, %dma_wait3A_61] : memref<32x8x128xi32, #tpu.memory_space<hbm>> -> memref<1x8x128xi32, #tpu.memory_space<hbm>>
      %dma_wait3A_63 = tpu.memref_squeeze %dma_wait3A_62 : memref<1x8x128xi32, #tpu.memory_space<hbm>> -> memref<8x128xi32, #tpu.memory_space<hbm>>
      %dma_wait3A_64 = arith.constant 0 : i32
      %dma_wait3A_65 = arith.constant 0 : i32
      %dma_wait3A_66 = tpu.memref_slice %arg2[%add3A, %dma_wait3A_64, %dma_wait3A_65] : memref<32x8x128xi32, #tpu.memory_space<hbm>> -> memref<1x8x128xi32, #tpu.memory_space<hbm>>
      %dma_wait3A_67 = tpu.memref_squeeze %dma_wait3A_66 : memref<1x8x128xi32, #tpu.memory_space<hbm>> -> memref<8x128xi32, #tpu.memory_space<hbm>>
      tpu.wait_dma2 semaphore(%run_scoped3A : memref<!tpu.dma_semaphore, #tpu.memory_space<semaphore_mem>>) src(%dma_wait3A_67 : memref<8x128xi32, #tpu.memory_space<hbm>>) dst(%arg6 : memref<8x128xi32, #tpu.memory_space<vmem>>)
      tpu.yield
    }) : () -> ()
    %dma_start3A = arith.constant 0 : i32
    %dma_start3A_3 = arith.constant 0 : i32
    %dma_start3A_4 = arith.constant 0 : i32
    %dma_start3A_5 = tpu.memref_slice %arg7[%dma_start3A_3, %dma_start3A_4] : memref<256x128xf32, #tpu.memory_space<vmem>> -> memref<128x128xf32, #tpu.memory_space<vmem>>
    %dma_start3A_6 = arith.constant 0 : i32
    %dma_start3A_7 = tpu.memref_slice %arg6[%dma_start3A, %dma_start3A_6] : memref<8x128xi32, #tpu.memory_space<vmem>> -> memref<1x128xi32, #tpu.memory_space<vmem>>
    %dma_start3A_8 = tpu.memref_squeeze %dma_start3A_7 : memref<1x128xi32, #tpu.memory_space<vmem>> -> memref<128xi32, #tpu.memory_space<vmem>>
    %dma_start3A_9 = arith.constant 0 : i32
    %dma_start3A_10 = arith.constant 0 : i32
    %dma_start3A_11 = tpu.memref_slice %arg3[%dma_start3A_9, %dma_start3A_10] : memref<100000x128xf32, #tpu.memory_space<hbm>> -> memref<100000x128xf32, #tpu.memory_space<hbm>>
    tpu.enqueue_indirect_dma source(%dma_start3A_11 : memref<100000x128xf32, #tpu.memory_space<hbm>>) target(%dma_start3A_5 : memref<128x128xf32, #tpu.memory_space<vmem>>) offsets(%dma_start3A_8 : memref<128xi32, #tpu.memory_space<vmem>>) semaphore(%arg9 : memref<!tpu.dma_semaphore, #tpu.memory_space<semaphore_mem>>)
    %dma_start3A_12 = arith.constant 1 : i32
    %dma_start3A_13 = arith.constant 128 : i32
    %dma_start3A_14 = arith.constant 0 : i32
    %dma_start3A_15 = tpu.memref_slice %arg7[%dma_start3A_13, %dma_start3A_14] : memref<256x128xf32, #tpu.memory_space<vmem>> -> memref<128x128xf32, #tpu.memory_space<vmem>>
    %dma_start3A_16 = arith.constant 0 : i32
    %dma_start3A_17 = tpu.memref_slice %arg6[%dma_start3A_12, %dma_start3A_16] : memref<8x128xi32, #tpu.memory_space<vmem>> -> memref<1x128xi32, #tpu.memory_space<vmem>>
    %dma_start3A_18 = tpu.memref_squeeze %dma_start3A_17 : memref<1x128xi32, #tpu.memory_space<vmem>> -> memref<128xi32, #tpu.memory_space<vmem>>
    %dma_start3A_19 = arith.constant 0 : i32
    %dma_start3A_20 = arith.constant 0 : i32
    %dma_start3A_21 = tpu.memref_slice %arg3[%dma_start3A_19, %dma_start3A_20] : memref<100000x128xf32, #tpu.memory_space<hbm>> -> memref<100000x128xf32, #tpu.memory_space<hbm>>
    tpu.enqueue_indirect_dma source(%dma_start3A_21 : memref<100000x128xf32, #tpu.memory_space<hbm>>) target(%dma_start3A_15 : memref<128x128xf32, #tpu.memory_space<vmem>>) offsets(%dma_start3A_18 : memref<128xi32, #tpu.memory_space<vmem>>) semaphore(%arg10 : memref<!tpu.dma_semaphore, #tpu.memory_space<semaphore_mem>>)
    %mul3A_22 = arith.constant 64 : i32
    %mul3A_23 = arith.muli %add3A, %mul3A_22 : i32
    "tpu.region"() ({
      %run_scoped3A = tpu.sem_alloc : memref<!tpu.dma_semaphore, #tpu.memory_space<semaphore_mem>>
      %dma_start3A_52 = arith.constant 0 : i32
      %dma_start3A_53 = tpu.memref_slice %arg4[%mul3A_23, %dma_start3A_52] : memref<2048x64xf32, #tpu.memory_space<hbm>> -> memref<64x64xf32, #tpu.memory_space<hbm>>
      %dma_start3A_54 = arith.constant 0 : i32
      %dma_start3A_55 = tpu.memref_slice %arg4[%mul3A_23, %dma_start3A_54] : memref<2048x64xf32, #tpu.memory_space<hbm>> -> memref<64x64xf32, #tpu.memory_space<hbm>>
      tpu.enqueue_dma source(%dma_start3A_55 : memref<64x64xf32, #tpu.memory_space<hbm>>) target(%arg8 : memref<64x64xf32, #tpu.memory_space<vmem>>) target_semaphore(%run_scoped3A : memref<!tpu.dma_semaphore, #tpu.memory_space<semaphore_mem>>)
      %dma_wait3A_56 = arith.constant 0 : i32
      %dma_wait3A_57 = tpu.memref_slice %arg4[%mul3A_23, %dma_wait3A_56] : memref<2048x64xf32, #tpu.memory_space<hbm>> -> memref<64x64xf32, #tpu.memory_space<hbm>>
      %dma_wait3A_58 = arith.constant 0 : i32
      %dma_wait3A_59 = tpu.memref_slice %arg4[%mul3A_23, %dma_wait3A_58] : memref<2048x64xf32, #tpu.memory_space<hbm>> -> memref<64x64xf32, #tpu.memory_space<hbm>>
      tpu.wait_dma2 semaphore(%run_scoped3A : memref<!tpu.dma_semaphore, #tpu.memory_space<semaphore_mem>>) src(%dma_wait3A_59 : memref<64x64xf32, #tpu.memory_space<hbm>>) dst(%arg8 : memref<64x64xf32, #tpu.memory_space<vmem>>)
      tpu.yield
    }) : () -> ()
    %scan3A = arith.constant 0 : i32
    %scan3A_24 = arith.constant 0 : i32
    %scan3A_25 = arith.constant 4 : i32
    %scan3A_26 = arith.addi %scan3A_24, %scan3A_25 : i32
    %scan3A_27 = arith.constant 1 : i32
    scf.for %scan3A_52 = %scan3A_24 to %scan3A_26 step %scan3A_27  : i32 {
      %mul3A_53 = arith.constant 2 : i32
      %mul3A_54 = arith.muli %scan3A_52, %mul3A_53 : i32
      %add3A_55 = arith.constant 0 : i32
      %add3A_56 = arith.addi %add3A_55, %mul3A_54 : i32
      %dma_wait3A_57 = arith.constant 0 : i32
      %dma_wait3A_58 = arith.constant 0 : i32
      %dma_wait3A_59 = tpu.memref_slice %arg7[%dma_wait3A_57, %dma_wait3A_58] : memref<256x128xf32, #tpu.memory_space<vmem>> -> memref<128x128xf32, #tpu.memory_space<vmem>>
      %dma_wait3A_60 = arith.constant 0 : i32
      %dma_wait3A_61 = arith.constant 0 : i32
      %dma_wait3A_62 = tpu.memref_slice %arg3[%dma_wait3A_60, %dma_wait3A_61] : memref<100000x128xf32, #tpu.memory_space<hbm>> -> memref<128x128xf32, #tpu.memory_space<hbm>>
      %dma_wait3A_63 = arith.constant 0 : i32
      %dma_wait3A_64 = arith.constant 0 : i32
      %dma_wait3A_65 = tpu.memref_slice %arg7[%dma_wait3A_63, %dma_wait3A_64] : memref<256x128xf32, #tpu.memory_space<vmem>> -> memref<128x128xf32, #tpu.memory_space<vmem>>
      %dma_wait3A_66 = arith.constant 0 : i32
      %dma_wait3A_67 = arith.constant 0 : i32
      %dma_wait3A_68 = tpu.memref_slice %arg3[%dma_wait3A_66, %dma_wait3A_67] : memref<100000x128xf32, #tpu.memory_space<hbm>> -> memref<128x128xf32, #tpu.memory_space<hbm>>
      tpu.wait_dma2 semaphore(%arg9 : memref<!tpu.dma_semaphore, #tpu.memory_space<semaphore_mem>>) src(%dma_wait3A_68 : memref<128x128xf32, #tpu.memory_space<hbm>>) dst(%dma_wait3A_65 : memref<128x128xf32, #tpu.memory_space<vmem>>)
      %scan3A_69 = arith.constant 0 : i32
      %scan3A_70 = arith.constant 0 : i32
      %scan3A_71 = arith.constant 8 : i32
      %scan3A_72 = arith.addi %scan3A_70, %scan3A_71 : i32
      %scan3A_73 = arith.constant 1 : i32
      scf.for %scan3A_134 = %scan3A_70 to %scan3A_72 step %scan3A_73  : i32 {
        %mul3A_135 = arith.constant 8 : i32
        %mul3A_136 = arith.muli %add3A_56, %mul3A_135 : i32
        %add3A_137 = arith.addi %mul3A_136, %scan3A_134 : i32
        %get3A = arith.index_cast %add3A_137 : i32 to index
        %get3A_138 = arith.constant 0 : index
        %get3A_139 = tpu.vector_load %arg8[%get3A, %get3A_138] {strides = array<i32>} : memref<64x64xf32, #tpu.memory_space<vmem>>, vector<1x16xf32>,
        %get3A_140 = vector.shape_cast %get3A_139 : vector<1x16xf32> to vector<16xf32>
        %mul3A_141 = arith.constant 8 : i32
        %mul3A_142 = arith.muli %add3A_56, %mul3A_141 : i32
        %add3A_143 = arith.addi %mul3A_142, %scan3A_134 : i32
        %get3A_144 = arith.index_cast %add3A_143 : i32 to index
        %get3A_145 = arith.constant 16 : index
        %get3A_146 = tpu.vector_load %arg8[%get3A_144, %get3A_145] {strides = array<i32>} : memref<64x64xf32, #tpu.memory_space<vmem>>, vector<1x16xf32>,
        %get3A_147 = vector.shape_cast %get3A_146 : vector<1x16xf32> to vector<16xf32>
        %mul3A_148 = arith.constant 8 : i32
        %mul3A_149 = arith.muli %add3A_56, %mul3A_148 : i32
        %add3A_150 = arith.addi %mul3A_149, %scan3A_134 : i32
        %get3A_151 = arith.index_cast %add3A_150 : i32 to index
        %get3A_152 = arith.constant 32 : index
        %get3A_153 = tpu.vector_load %arg8[%get3A_151, %get3A_152] {strides = array<i32>} : memref<64x64xf32, #tpu.memory_space<vmem>>, vector<1x16xf32>,
        %get3A_154 = vector.shape_cast %get3A_153 : vector<1x16xf32> to vector<16xf32>
        %mul3A_155 = arith.constant 8 : i32
        %mul3A_156 = arith.muli %add3A_56, %mul3A_155 : i32
        %add3A_157 = arith.addi %mul3A_156, %scan3A_134 : i32
        %get3A_158 = arith.index_cast %add3A_157 : i32 to index
        %get3A_159 = arith.constant 48 : index
        %get3A_160 = tpu.vector_load %arg8[%get3A_158, %get3A_159] {strides = array<i32>} : memref<64x64xf32, #tpu.memory_space<vmem>>, vector<1x16xf32>,
        %get3A_161 = vector.shape_cast %get3A_160 : vector<1x16xf32> to vector<16xf32>
        %mul3A_162 = arith.constant 16 : i32
        %mul3A_163 = arith.muli %scan3A_134, %mul3A_162 : i32
        %add3A_164 = arith.constant 0 : i32
        %add3A_165 = arith.addi %add3A_164, %mul3A_163 : i32
        %add3A_166 = arith.constant 0 : i32
        %add3A_167 = arith.addi %add3A_165, %add3A_166 : i32
        %get3A_168 = arith.index_cast %add3A_167 : i32 to index
        %get3A_169 = arith.constant 0 : index
        %get3A_170 = tpu.vector_load %arg7[%get3A_168, %get3A_169] {strides = array<i32>} : memref<256x128xf32, #tpu.memory_space<vmem>>, vector<1x16xf32>,
        %get3A_171 = vector.shape_cast %get3A_170 : vector<1x16xf32> to vector<16xf32>
        %add3A_172 = arith.addf %get3A_171, %get3A_140 : vector<16xf32>
        %swap3A = arith.index_cast %add3A_167 : i32 to index
        %swap3A_173 = arith.constant 0 : index
        %swap3A_174 = tpu.vector_load %arg7[%swap3A, %swap3A_173] {strides = array<i32>} : memref<256x128xf32, #tpu.memory_space<vmem>>, vector<1x16xf32>,
        %swap3A_175 = vector.shape_cast %swap3A_174 : vector<1x16xf32> to vector<16xf32>
        %swap3A_176 = vector.shape_cast %add3A_172 : vector<16xf32> to vector<1x16xf32>
        tpu.vector_store %arg7[%swap3A, %swap3A_173], %swap3A_176 {strides = array<i32>} : memref<256x128xf32, #tpu.memory_space<vmem>>, vector<1x16xf32>,
        %get3A_177 = arith.index_cast %add3A_167 : i32 to index
        %get3A_178 = arith.constant 16 : index
        %get3A_179 = tpu.vector_load %arg7[%get3A_177, %get3A_178] {strides = array<i32>} : memref<256x128xf32, #tpu.memory_space<vmem>>, vector<1x16xf32>,
        %get3A_180 = vector.shape_cast %get3A_179 : vector<1x16xf32> to vector<16xf32>
        %add3A_181 = arith.addf %get3A_180, %get3A_147 : vector<16xf32>
        %swap3A_182 = arith.index_cast %add3A_167 : i32 to index
        %swap3A_183 = arith.constant 16 : index
        %swap3A_184 = tpu.vector_load %arg7[%swap3A_182, %swap3A_183] {strides = array<i32>} : memref<256x128xf32, #tpu.memory_space<vmem>>, vector<1x16xf32>,
        %swap3A_185 = vector.shape_cast %swap3A_184 : vector<1x16xf32> to vector<16xf32>
        %swap3A_186 = vector.shape_cast %add3A_181 : vector<16xf32> to vector<1x16xf32>
        tpu.vector_store %arg7[%swap3A_182, %swap3A_183], %swap3A_186 {strides = array<i32>} : memref<256x128xf32, #tpu.memory_space<vmem>>, vector<1x16xf32>,
        %get3A_187 = arith.index_cast %add3A_167 : i32 to index
        %get3A_188 = arith.constant 32 : index
        %get3A_189 = tpu.vector_load %arg7[%get3A_187, %get3A_188] {strides = array<i32>} : memref<256x128xf32, #tpu.memory_space<vmem>>, vector<1x16xf32>,
        %get3A_190 = vector.shape_cast %get3A_189 : vector<1x16xf32> to vector<16xf32>
        %add3A_191 = arith.addf %get3A_190, %get3A_154 : vector<16xf32>
        %swap3A_192 = arith.index_cast %add3A_167 : i32 to index
        %swap3A_193 = arith.constant 32 : index
        %swap3A_194 = tpu.vector_load %arg7[%swap3A_192, %swap3A_193] {strides = array<i32>} : memref<256x128xf32, #tpu.memory_space<vmem>>, vector<1x16xf32>,
        %swap3A_195 = vector.shape_cast %swap3A_194 : vector<1x16xf32> to vector<16xf32>
        %swap3A_196 = vector.shape_cast %add3A_191 : vector<16xf32> to vector<1x16xf32>
        tpu.vector_store %arg7[%swap3A_192, %swap3A_193], %swap3A_196 {strides = array<i32>} : memref<256x128xf32, #tpu.memory_space<vmem>>, vector<1x16xf32>,
        %get3A_197 = arith.index_cast %add3A_167 : i32 to index
        %get3A_198 = arith.constant 48 : index
        %get3A_199 = tpu.vector_load %arg7[%get3A_197, %get3A_198] {strides = array<i32>} : memref<256x128xf32, #tpu.memory_space<vmem>>, vector<1x16xf32>,
        %get3A_200 = vector.shape_cast %get3A_199 : vector<1x16xf32> to vector<16xf32>
        %add3A_201 = arith.addf %get3A_200, %get3A_161 : vector<16xf32>
        %swap3A_202 = arith.index_cast %add3A_167 : i32 to index
        %swap3A_203 = arith.constant 48 : index
        %swap3A_204 = tpu.vector_load %arg7[%swap3A_202, %swap3A_203] {strides = array<i32>} : memref<256x128xf32, #tpu.memory_space<vmem>>, vector<1x16xf32>,
        %swap3A_205 = vector.shape_cast %swap3A_204 : vector<1x16xf32> to vector<16xf32>
        %swap3A_206 = vector.shape_cast %add3A_201 : vector<16xf32> to vector<1x16xf32>
        tpu.vector_store %arg7[%swap3A_202, %swap3A_203], %swap3A_206 {strides = array<i32>} : memref<256x128xf32, #tpu.memory_space<vmem>>, vector<1x16xf32>,
        %mul3A_207 = arith.constant 16 : i32
        %mul3A_208 = arith.muli %scan3A_134, %mul3A_207 : i32
        %add3A_209 = arith.constant 0 : i32
        %add3A_210 = arith.addi %add3A_209, %mul3A_208 : i32
        %add3A_211 = arith.constant 1 : i32
        %add3A_212 = arith.addi %add3A_210, %add3A_211 : i32
        %get3A_213 = arith.index_cast %add3A_212 : i32 to index
        %get3A_214 = arith.constant 0 : index
        %get3A_215 = tpu.vector_load %arg7[%get3A_213, %get3A_214] {strides = array<i32>} : memref<256x128xf32, #tpu.memory_space<vmem>>, vector<1x16xf32>,
        %get3A_216 = vector.shape_cast %get3A_215 : vector<1x16xf32> to vector<16xf32>
        %add3A_217 = arith.addf %get3A_216, %get3A_140 : vector<16xf32>
        %swap3A_218 = arith.index_cast %add3A_212 : i32 to index
        %swap3A_219 = arith.constant 0 : index
        %swap3A_220 = tpu.vector_load %arg7[%swap3A_218, %swap3A_219] {strides = array<i32>} : memref<256x128xf32, #tpu.memory_space<vmem>>, vector<1x16xf32>,
        %swap3A_221 = vector.shape_cast %swap3A_220 : vector<1x16xf32> to vector<16xf32>
        %swap3A_222 = vector.shape_cast %add3A_217 : vector<16xf32> to vector<1x16xf32>
        tpu.vector_store %arg7[%swap3A_218, %swap3A_219], %swap3A_222 {strides = array<i32>} : memref<256x128xf32, #tpu.memory_space<vmem>>, vector<1x16xf32>,
        %get3A_223 = arith.index_cast %add3A_212 : i32 to index
        %get3A_224 = arith.constant 16 : index
        %get3A_225 = tpu.vector_load %arg7[%get3A_223, %get3A_224] {strides = array<i32>} : memref<256x128xf32, #tpu.memory_space<vmem>>, vector<1x16xf32>,
        %get3A_226 = vector.shape_cast %get3A_225 : vector<1x16xf32> to vector<16xf32>
        %add3A_227 = arith.addf %get3A_226, %get3A_147 : vector<16xf32>
        %swap3A_228 = arith.index_cast %add3A_212 : i32 to index
        %swap3A_229 = arith.constant 16 : index
        %swap3A_230 = tpu.vector_load %arg7[%swap3A_228, %swap3A_229] {strides = array<i32>} : memref<256x128xf32, #tpu.memory_space<vmem>>, vector<1x16xf32>,
        %swap3A_231 = vector.shape_cast %swap3A_230 : vector<1x16xf32> to vector<16xf32>
        %swap3A_232 = vector.shape_cast %add3A_227 : vector<16xf32> to vector<1x16xf32>
        tpu.vector_store %arg7[%swap3A_228, %swap3A_229], %swap3A_232 {strides = array<i32>} : memref<256x128xf32, #tpu.memory_space<vmem>>, vector<1x16xf32>,
        %get3A_233 = arith.index_cast %add3A_212 : i32 to index
        %get3A_234 = arith.constant 32 : index
        %get3A_235 = tpu.vector_load %arg7[%get3A_233, %get3A_234] {strides = array<i32>} : memref<256x128xf32, #tpu.memory_space<vmem>>, vector<1x16xf32>,
        %get3A_236 = vector.shape_cast %get3A_235 : vector<1x16xf32> to vector<16xf32>
        %add3A_237 = arith.addf %get3A_236, %get3A_154 : vector<16xf32>
        %swap3A_238 = arith.index_cast %add3A_212 : i32 to index
        %swap3A_239 = arith.constant 32 : index
        %swap3A_240 = tpu.vector_load %arg7[%swap3A_238, %swap3A_239] {strides = array<i32>} : memref<256x128xf32, #tpu.memory_space<vmem>>, vector<1x16xf32>,
        %swap3A_241 = vector.shape_cast %swap3A_240 : vector<1x16xf32> to vector<16xf32>
        %swap3A_242 = vector.shape_cast %add3A_237 : vector<16xf32> to vector<1x16xf32>
        tpu.vector_store %arg7[%swap3A_238, %swap3A_239], %swap3A_242 {strides = array<i32>} : memref<256x128xf32, #tpu.memory_space<vmem>>, vector<1x16xf32>,
        %get3A_243 = arith.index_cast %add3A_212 : i32 to index
        %get3A_244 = arith.constant 48 : index
        %get3A_245 = tpu.vector_load %arg7[%get3A_243, %get3A_244] {strides = array<i32>} : memref<256x128xf32, #tpu.memory_space<vmem>>, vector<1x16xf32>,
        %get3A_246 = vector.shape_cast %get3A_245 : vector<1x16xf32> to vector<16xf32>
        %add3A_247 = arith.addf %get3A_246, %get3A_161 : vector<16xf32>
        %swap3A_248 = arith.index_cast %add3A_212 : i32 to index
        %swap3A_249 = arith.constant 48 : index
        %swap3A_250 = tpu.vector_load %arg7[%swap3A_248, %swap3A_249] {strides = array<i32>} : memref<256x128xf32, #tpu.memory_space<vmem>>, vector<1x16xf32>,
        %swap3A_251 = vector.shape_cast %swap3A_250 : vector<1x16xf32> to vector<16xf32>
        %swap3A_252 = vector.shape_cast %add3A_247 : vector<16xf32> to vector<1x16xf32>
        tpu.vector_store %arg7[%swap3A_248, %swap3A_249], %swap3A_252 {strides = array<i32>} : memref<256x128xf32, #tpu.memory_space<vmem>>, vector<1x16xf32>,
        %mul3A_253 = arith.constant 16 : i32
        %mul3A_254 = arith.muli %scan3A_134, %mul3A_253 : i32
        %add3A_255 = arith.constant 0 : i32
        %add3A_256 = arith.addi %add3A_255, %mul3A_254 : i32
        %add3A_257 = arith.constant 2 : i32
        %add3A_258 = arith.addi %add3A_256, %add3A_257 : i32
        %get3A_259 = arith.index_cast %add3A_258 : i32 to index
        %get3A_260 = arith.constant 0 : index
        %get3A_261 = tpu.vector_load %arg7[%get3A_259, %get3A_260] {strides = array<i32>} : memref<256x128xf32, #tpu.memory_space<vmem>>, vector<1x16xf32>,
        %get3A_262 = vector.shape_cast %get3A_261 : vector<1x16xf32> to vector<16xf32>
        %add3A_263 = arith.addf %get3A_262, %get3A_140 : vector<16xf32>
        %swap3A_264 = arith.index_cast %add3A_258 : i32 to index
        %swap3A_265 = arith.constant 0 : index
        %swap3A_266 = tpu.vector_load %arg7[%swap3A_264, %swap3A_265] {strides = array<i32>} : memref<256x128xf32, #tpu.memory_space<vmem>>, vector<1x16xf32>,
        %swap3A_267 = vector.shape_cast %swap3A_266 : vector<1x16xf32> to vector<16xf32>
        %swap3A_268 = vector.shape_cast %add3A_263 : vector<16xf32> to vector<1x16xf32>
        tpu.vector_store %arg7[%swap3A_264, %swap3A_265], %swap3A_268 {strides = array<i32>} : memref<256x128xf32, #tpu.memory_space<vmem>>, vector<1x16xf32>,
        %get3A_269 = arith.index_cast %add3A_258 : i32 to index
        %get3A_270 = arith.constant 16 : index
        %get3A_271 = tpu.vector_load %arg7[%get3A_269, %get3A_270] {strides = array<i32>} : memref<256x128xf32, #tpu.memory_space<vmem>>, vector<1x16xf32>,
        %get3A_272 = vector.shape_cast %get3A_271 : vector<1x16xf32> to vector<16xf32>
        %add3A_273 = arith.addf %get3A_272, %get3A_147 : vector<16xf32>
        %swap3A_274 = arith.index_cast %add3A_258 : i32 to index
        %swap3A_275 = arith.constant 16 : index
        %swap3A_276 = tpu.vector_load %arg7[%swap3A_274, %swap3A_275] {strides = array<i32>} : memref<256x128xf32, #tpu.memory_space<vmem>>, vector<1x16xf32>,
        %swap3A_277 = vector.shape_cast %swap3A_276 : vector<1x16xf32> to vector<16xf32>
        %swap3A_278 = vector.shape_cast %add3A_273 : vector<16xf32> to vector<1x16xf32>
        tpu.vector_store %arg7[%swap3A_274, %swap3A_275], %swap3A_278 {strides = array<i32>} : memref<256x128xf32, #tpu.memory_space<vmem>>, vector<1x16xf32>,
        %get3A_279 = arith.index_cast %add3A_258 : i32 to index
        %get3A_280 = arith.constant 32 : index
        %get3A_281 = tpu.vector_load %arg7[%get3A_279, %get3A_280] {strides = array<i32>} : memref<256x128xf32, #tpu.memory_space<vmem>>, vector<1x16xf32>,
        %get3A_282 = vector.shape_cast %get3A_281 : vector<1x16xf32> to vector<16xf32>
        %add3A_283 = arith.addf %get3A_282, %get3A_154 : vector<16xf32>
        %swap3A_284 = arith.index_cast %add3A_258 : i32 to index
        %swap3A_285 = arith.constant 32 : index
        %swap3A_286 = tpu.vector_load %arg7[%swap3A_284, %swap3A_285] {strides = array<i32>} : memref<256x128xf32, #tpu.memory_space<vmem>>, vector<1x16xf32>,
        %swap3A_287 = vector.shape_cast %swap3A_286 : vector<1x16xf32> to vector<16xf32>
        %swap3A_288 = vector.shape_cast %add3A_283 : vector<16xf32> to vector<1x16xf32>
        tpu.vector_store %arg7[%swap3A_284, %swap3A_285], %swap3A_288 {strides = array<i32>} : memref<256x128xf32, #tpu.memory_space<vmem>>, vector<1x16xf32>,
        %get3A_289 = arith.index_cast %add3A_258 : i32 to index
        %get3A_290 = arith.constant 48 : index
        %get3A_291 = tpu.vector_load %arg7[%get3A_289, %get3A_290] {strides = array<i32>} : memref<256x128xf32, #tpu.memory_space<vmem>>, vector<1x16xf32>,
        %get3A_292 = vector.shape_cast %get3A_291 : vector<1x16xf32> to vector<16xf32>
        %add3A_293 = arith.addf %get3A_292, %get3A_161 : vector<16xf32>
        %swap3A_294 = arith.index_cast %add3A_258 : i32 to index
        %swap3A_295 = arith.constant 48 : index
        %swap3A_296 = tpu.vector_load %arg7[%swap3A_294, %swap3A_295] {strides = array<i32>} : memref<256x128xf32, #tpu.memory_space<vmem>>, vector<1x16xf32>,
        %swap3A_297 = vector.shape_cast %swap3A_296 : vector<1x16xf32> to vector<16xf32>
        %swap3A_298 = vector.shape_cast %add3A_293 : vector<16xf32> to vector<1x16xf32>
        tpu.vector_store %arg7[%swap3A_294, %swap3A_295], %swap3A_298 {strides = array<i32>} : memref<256x128xf32, #tpu.memory_space<vmem>>, vector<1x16xf32>,
        %mul3A_299 = arith.constant 16 : i32
        %mul3A_300 = arith.muli %scan3A_134, %mul3A_299 : i32
        %add3A_301 = arith.constant 0 : i32
        %add3A_302 = arith.addi %add3A_301, %mul3A_300 : i32
        %add3A_303 = arith.constant 3 : i32
        %add3A_304 = arith.addi %add3A_302, %add3A_303 : i32
        %get3A_305 = arith.index_cast %add3A_304 : i32 to index
        %get3A_306 = arith.constant 0 : index
        %get3A_307 = tpu.vector_load %arg7[%get3A_305, %get3A_306] {strides = array<i32>} : memref<256x128xf32, #tpu.memory_space<vmem>>, vector<1x16xf32>,
        %get3A_308 = vector.shape_cast %get3A_307 : vector<1x16xf32> to vector<16xf32>
        %add3A_309 = arith.addf %get3A_308, %get3A_140 : vector<16xf32>
        %swap3A_310 = arith.index_cast %add3A_304 : i32 to index
        %swap3A_311 = arith.constant 0 : index
        %swap3A_312 = tpu.vector_load %arg7[%swap3A_310, %swap3A_311] {strides = array<i32>} : memref<256x128xf32, #tpu.memory_space<vmem>>, vector<1x16xf32>,
        %swap3A_313 = vector.shape_cast %swap3A_312 : vector<1x16xf32> to vector<16xf32>
        %swap3A_314 = vector.shape_cast %add3A_309 : vector<16xf32> to vector<1x16xf32>
        tpu.vector_store %arg7[%swap3A_310, %swap3A_311], %swap3A_314 {strides = array<i32>} : memref<256x128xf32, #tpu.memory_space<vmem>>, vector<1x16xf32>,
        %get3A_315 = arith.index_cast %add3A_304 : i32 to index
        %get3A_316 = arith.constant 16 : index
        %get3A_317 = tpu.vector_load %arg7[%get3A_315, %get3A_316] {strides = array<i32>} : memref<256x128xf32, #tpu.memory_space<vmem>>, vector<1x16xf32>,
        %get3A_318 = vector.shape_cast %get3A_317 : vector<1x16xf32> to vector<16xf32>
        %add3A_319 = arith.addf %get3A_318, %get3A_147 : vector<16xf32>
        %swap3A_320 = arith.index_cast %add3A_304 : i32 to index
        %swap3A_321 = arith.constant 16 : index
        %swap3A_322 = tpu.vector_load %arg7[%swap3A_320, %swap3A_321] {strides = array<i32>} : memref<256x128xf32, #tpu.memory_space<vmem>>, vector<1x16xf32>,
        %swap3A_323 = vector.shape_cast %swap3A_322 : vector<1x16xf32> to vector<16xf32>
        %swap3A_324 = vector.shape_cast %add3A_319 : vector<16xf32> to vector<1x16xf32>
        tpu.vector_store %arg7[%swap3A_320, %swap3A_321], %swap3A_324 {strides = array<i32>} : memref<256x128xf32, #tpu.memory_space<vmem>>, vector<1x16xf32>,
        %get3A_325 = arith.index_cast %add3A_304 : i32 to index
        %get3A_326 = arith.constant 32 : index
        %get3A_327 = tpu.vector_load %arg7[%get3A_325, %get3A_326] {strides = array<i32>} : memref<256x128xf32, #tpu.memory_space<vmem>>, vector<1x16xf32>,
        %get3A_328 = vector.shape_cast %get3A_327 : vector<1x16xf32> to vector<16xf32>
        %add3A_329 = arith.addf %get3A_328, %get3A_154 : vector<16xf32>
        %swap3A_330 = arith.index_cast %add3A_304 : i32 to index
        %swap3A_331 = arith.constant 32 : index
        %swap3A_332 = tpu.vector_load %arg7[%swap3A_330, %swap3A_331] {strides = array<i32>} : memref<256x128xf32, #tpu.memory_space<vmem>>, vector<1x16xf32>,
        %swap3A_333 = vector.shape_cast %swap3A_332 : vector<1x16xf32> to vector<16xf32>
        %swap3A_334 = vector.shape_cast %add3A_329 : vector<16xf32> to vector<1x16xf32>
        tpu.vector_store %arg7[%swap3A_330, %swap3A_331], %swap3A_334 {strides = array<i32>} : memref<256x128xf32, #tpu.memory_space<vmem>>, vector<1x16xf32>,
        %get3A_335 = arith.index_cast %add3A_304 : i32 to index
        %get3A_336 = arith.constant 48 : index
        %get3A_337 = tpu.vector_load %arg7[%get3A_335, %get3A_336] {strides = array<i32>} : memref<256x128xf32, #tpu.memory_space<vmem>>, vector<1x16xf32>,
        %get3A_338 = vector.shape_cast %get3A_337 : vector<1x16xf32> to vector<16xf32>
        %add3A_339 = arith.addf %get3A_338, %get3A_161 : vector<16xf32>
        %swap3A_340 = arith.index_cast %add3A_304 : i32 to index
        %swap3A_341 = arith.constant 48 : index
        %swap3A_342 = tpu.vector_load %arg7[%swap3A_340, %swap3A_341] {strides = array<i32>} : memref<256x128xf32, #tpu.memory_space<vmem>>, vector<1x16xf32>,
        %swap3A_343 = vector.shape_cast %swap3A_342 : vector<1x16xf32> to vector<16xf32>
        %swap3A_344 = vector.shape_cast %add3A_339 : vector<16xf32> to vector<1x16xf32>
        tpu.vector_store %arg7[%swap3A_340, %swap3A_341], %swap3A_344 {strides = array<i32>} : memref<256x128xf32, #tpu.memory_space<vmem>>, vector<1x16xf32>,
        %mul3A_345 = arith.constant 16 : i32
        %mul3A_346 = arith.muli %scan3A_134, %mul3A_345 : i32
        %add3A_347 = arith.constant 0 : i32
        %add3A_348 = arith.addi %add3A_347, %mul3A_346 : i32
        %add3A_349 = arith.constant 4 : i32
        %add3A_350 = arith.addi %add3A_348, %add3A_349 : i32
        %get3A_351 = arith.index_cast %add3A_350 : i32 to index
        %get3A_352 = arith.constant 0 : index
        %get3A_353 = tpu.vector_load %arg7[%get3A_351, %get3A_352] {strides = array<i32>} : memref<256x128xf32, #tpu.memory_space<vmem>>, vector<1x16xf32>,
        %get3A_354 = vector.shape_cast %get3A_353 : vector<1x16xf32> to vector<16xf32>
        %add3A_355 = arith.addf %get3A_354, %get3A_140 : vector<16xf32>
        %swap3A_356 = arith.index_cast %add3A_350 : i32 to index
        %swap3A_357 = arith.constant 0 : index
        %swap3A_358 = tpu.vector_load %arg7[%swap3A_356, %swap3A_357] {strides = array<i32>} : memref<256x128xf32, #tpu.memory_space<vmem>>, vector<1x16xf32>,
        %swap3A_359 = vector.shape_cast %swap3A_358 : vector<1x16xf32> to vector<16xf32>
        %swap3A_360 = vector.shape_cast %add3A_355 : vector<16xf32> to vector<1x16xf32>
        tpu.vector_store %arg7[%swap3A_356, %swap3A_357], %swap3A_360 {strides = array<i32>} : memref<256x128xf32, #tpu.memory_space<vmem>>, vector<1x16xf32>,
        %get3A_361 = arith.index_cast %add3A_350 : i32 to index
        %get3A_362 = arith.constant 16 : index
        %get3A_363 = tpu.vector_load %arg7[%get3A_361, %get3A_362] {strides = array<i32>} : memref<256x128xf32, #tpu.memory_space<vmem>>, vector<1x16xf32>,
        %get3A_364 = vector.shape_cast %get3A_363 : vector<1x16xf32> to vector<16xf32>
        %add3A_365 = arith.addf %get3A_364, %get3A_147 : vector<16xf32>
        %swap3A_366 = arith.index_cast %add3A_350 : i32 to index
        %swap3A_367 = arith.constant 16 : index
        %swap3A_368 = tpu.vector_load %arg7[%swap3A_366, %swap3A_367] {strides = array<i32>} : memref<256x128xf32, #tpu.memory_space<vmem>>, vector<1x16xf32>,
        %swap3A_369 = vector.shape_cast %swap3A_368 : vector<1x16xf32> to vector<16xf32>
        %swap3A_370 = vector.shape_cast %add3A_365 : vector<16xf32> to vector<1x16xf32>
        tpu.vector_store %arg7[%swap3A_366, %swap3A_367], %swap3A_370 {strides = array<i32>} : memref<256x128xf32, #tpu.memory_space<vmem>>, vector<1x16xf32>,
        %get3A_371 = arith.index_cast %add3A_350 : i32 to index
        %get3A_372 = arith.constant 32 : index
        %get3A_373 = tpu.vector_load %arg7[%get3A_371, %get3A_372] {strides = array<i32>} : memref<256x128xf32, #tpu.memory_space<vmem>>, vector<1x16xf32>,
        %get3A_374 = vector.shape_cast %get3A_373 : vector<1x16xf32> to vector<16xf32>
        %add3A_375 = arith.addf %get3A_374, %get3A_154 : vector<16xf32>
        %swap3A_376 = arith.index_cast %add3A_350 : i32 to index
        %swap3A_377 = arith.constant 32 : index
        %swap3A_378 = tpu.vector_load %arg7[%swap3A_376, %swap3A_377] {strides = array<i32>} : memref<256x128xf32, #tpu.memory_space<vmem>>, vector<1x16xf32>,
        %swap3A_379 = vector.shape_cast %swap3A_378 : vector<1x16xf32> to vector<16xf32>
        %swap3A_380 = vector.shape_cast %add3A_375 : vector<16xf32> to vector<1x16xf32>
        tpu.vector_store %arg7[%swap3A_376, %swap3A_377], %swap3A_380 {strides = array<i32>} : memref<256x128xf32, #tpu.memory_space<vmem>>, vector<1x16xf32>,
        %get3A_381 = arith.index_cast %add3A_350 : i32 to index
        %get3A_382 = arith.constant 48 : index
        %get3A_383 = tpu.vector_load %arg7[%get3A_381, %get3A_382] {strides = array<i32>} : memref<256x128xf32, #tpu.memory_space<vmem>>, vector<1x16xf32>,
        %get3A_384 = vector.shape_cast %get3A_383 : vector<1x16xf32> to vector<16xf32>
        %add3A_385 = arith.addf %get3A_384, %get3A_161 : vector<16xf32>
        %swap3A_386 = arith.index_cast %add3A_350 : i32 to index
        %swap3A_387 = arith.constant 48 : index
        %swap3A_388 = tpu.vector_load %arg7[%swap3A_386, %swap3A_387] {strides = array<i32>} : memref<256x128xf32, #tpu.memory_space<vmem>>, vector<1x16xf32>,
        %swap3A_389 = vector.shape_cast %swap3A_388 : vector<1x16xf32> to vector<16xf32>
        %swap3A_390 = vector.shape_cast %add3A_385 : vector<16xf32> to vector<1x16xf32>
        tpu.vector_store %arg7[%swap3A_386, %swap3A_387], %swap3A_390 {strides = array<i32>} : memref<256x128xf32, #tpu.memory_space<vmem>>, vector<1x16xf32>,
        %mul3A_391 = arith.constant 16 : i32
        %mul3A_392 = arith.muli %scan3A_134, %mul3A_391 : i32
        %add3A_393 = arith.constant 0 : i32
        %add3A_394 = arith.addi %add3A_393, %mul3A_392 : i32
        %add3A_395 = arith.constant 5 : i32
        %add3A_396 = arith.addi %add3A_394, %add3A_395 : i32
        %get3A_397 = arith.index_cast %add3A_396 : i32 to index
        %get3A_398 = arith.constant 0 : index
        %get3A_399 = tpu.vector_load %arg7[%get3A_397, %get3A_398] {strides = array<i32>} : memref<256x128xf32, #tpu.memory_space<vmem>>, vector<1x16xf32>,
        %get3A_400 = vector.shape_cast %get3A_399 : vector<1x16xf32> to vector<16xf32>
        %add3A_401 = arith.addf %get3A_400, %get3A_140 : vector<16xf32>
        %swap3A_402 = arith.index_cast %add3A_396 : i32 to index
        %swap3A_403 = arith.constant 0 : index
        %swap3A_404 = tpu.vector_load %arg7[%swap3A_402, %swap3A_403] {strides = array<i32>} : memref<256x128xf32, #tpu.memory_space<vmem>>, vector<1x16xf32>,
        %swap3A_405 = vector.shape_cast %swap3A_404 : vector<1x16xf32> to vector<16xf32>
        %swap3A_406 = vector.shape_cast %add3A_401 : vector<16xf32> to vector<1x16xf32>
        tpu.vector_store %arg7[%swap3A_402, %swap3A_403], %swap3A_406 {strides = array<i32>} : memref<256x128xf32, #tpu.memory_space<vmem>>, vector<1x16xf32>,
        %get3A_407 = arith.index_cast %add3A_396 : i32 to index
        %get3A_408 = arith.constant 16 : index
        %get3A_409 = tpu.vector_load %arg7[%get3A_407, %get3A_408] {strides = array<i32>} : memref<256x128xf32, #tpu.memory_space<vmem>>, vector<1x16xf32>,
        %get3A_410 = vector.shape_cast %get3A_409 : vector<1x16xf32> to vector<16xf32>
        %add3A_411 = arith.addf %get3A_410, %get3A_147 : vector<16xf32>
        %swap3A_412 = arith.index_cast %add3A_396 : i32 to index
        %swap3A_413 = arith.constant 16 : index
        %swap3A_414 = tpu.vector_load %arg7[%swap3A_412, %swap3A_413] {strides = array<i32>} : memref<256x128xf32, #tpu.memory_space<vmem>>, vector<1x16xf32>,
        %swap3A_415 = vector.shape_cast %swap3A_414 : vector<1x16xf32> to vector<16xf32>
        %swap3A_416 = vector.shape_cast %add3A_411 : vector<16xf32> to vector<1x16xf32>
        tpu.vector_store %arg7[%swap3A_412, %swap3A_413], %swap3A_416 {strides = array<i32>} : memref<256x128xf32, #tpu.memory_space<vmem>>, vector<1x16xf32>,
        %get3A_417 = arith.index_cast %add3A_396 : i32 to index
        %get3A_418 = arith.constant 32 : index
        %get3A_419 = tpu.vector_load %arg7[%get3A_417, %get3A_418] {strides = array<i32>} : memref<256x128xf32, #tpu.memory_space<vmem>>, vector<1x16xf32>,
        %get3A_420 = vector.shape_cast %get3A_419 : vector<1x16xf32> to vector<16xf32>
        %add3A_421 = arith.addf %get3A_420, %get3A_154 : vector<16xf32>
        %swap3A_422 = arith.index_cast %add3A_396 : i32 to index
        %swap3A_423 = arith.constant 32 : index
        %swap3A_424 = tpu.vector_load %arg7[%swap3A_422, %swap3A_423] {strides = array<i32>} : memref<256x128xf32, #tpu.memory_space<vmem>>, vector<1x16xf32>,
        %swap3A_425 = vector.shape_cast %swap3A_424 : vector<1x16xf32> to vector<16xf32>
        %swap3A_426 = vector.shape_cast %add3A_421 : vector<16xf32> to vector<1x16xf32>
        tpu.vector_store %arg7[%swap3A_422, %swap3A_423], %swap3A_426 {strides = array<i32>} : memref<256x128xf32, #tpu.memory_space<vmem>>, vector<1x16xf32>,
        %get3A_427 = arith.index_cast %add3A_396 : i32 to index
        %get3A_428 = arith.constant 48 : index
        %get3A_429 = tpu.vector_load %arg7[%get3A_427, %get3A_428] {strides = array<i32>} : memref<256x128xf32, #tpu.memory_space<vmem>>, vector<1x16xf32>,
        %get3A_430 = vector.shape_cast %get3A_429 : vector<1x16xf32> to vector<16xf32>
        %add3A_431 = arith.addf %get3A_430, %get3A_161 : vector<16xf32>
        %swap3A_432 = arith.index_cast %add3A_396 : i32 to index
        %swap3A_433 = arith.constant 48 : index
        %swap3A_434 = tpu.vector_load %arg7[%swap3A_432, %swap3A_433] {strides = array<i32>} : memref<256x128xf32, #tpu.memory_space<vmem>>, vector<1x16xf32>,
        %swap3A_435 = vector.shape_cast %swap3A_434 : vector<1x16xf32> to vector<16xf32>
        %swap3A_436 = vector.shape_cast %add3A_431 : vector<16xf32> to vector<1x16xf32>
        tpu.vector_store %arg7[%swap3A_432, %swap3A_433], %swap3A_436 {strides = array<i32>} : memref<256x128xf32, #tpu.memory_space<vmem>>, vector<1x16xf32>,
        %mul3A_437 = arith.constant 16 : i32
        %mul3A_438 = arith.muli %scan3A_134, %mul3A_437 : i32
        %add3A_439 = arith.constant 0 : i32
        %add3A_440 = arith.addi %add3A_439, %mul3A_438 : i32
        %add3A_441 = arith.constant 6 : i32
        %add3A_442 = arith.addi %add3A_440, %add3A_441 : i32
        %get3A_443 = arith.index_cast %add3A_442 : i32 to index
        %get3A_444 = arith.constant 0 : index
        %get3A_445 = tpu.vector_load %arg7[%get3A_443, %get3A_444] {strides = array<i32>} : memref<256x128xf32, #tpu.memory_space<vmem>>, vector<1x16xf32>,
        %get3A_446 = vector.shape_cast %get3A_445 : vector<1x16xf32> to vector<16xf32>
        %add3A_447 = arith.addf %get3A_446, %get3A_140 : vector<16xf32>
        %swap3A_448 = arith.index_cast %add3A_442 : i32 to index
        %swap3A_449 = arith.constant 0 : index
        %swap3A_450 = tpu.vector_load %arg7[%swap3A_448, %swap3A_449] {strides = array<i32>} : memref<256x128xf32, #tpu.memory_space<vmem>>, vector<1x16xf32>,
        %swap3A_451 = vector.shape_cast %swap3A_450 : vector<1x16xf32> to vector<16xf32>
        %swap3A_452 = vector.shape_cast %add3A_447 : vector<16xf32> to vector<1x16xf32>
        tpu.vector_store %arg7[%swap3A_448, %swap3A_449], %swap3A_452 {strides = array<i32>} : memref<256x128xf32, #tpu.memory_space<vmem>>, vector<1x16xf32>,
        %get3A_453 = arith.index_cast %add3A_442 : i32 to index
        %get3A_454 = arith.constant 16 : index
        %get3A_455 = tpu.vector_load %arg7[%get3A_453, %get3A_454] {strides = array<i32>} : memref<256x128xf32, #tpu.memory_space<vmem>>, vector<1x16xf32>,
        %get3A_456 = vector.shape_cast %get3A_455 : vector<1x16xf32> to vector<16xf32>
        %add3A_457 = arith.addf %get3A_456, %get3A_147 : vector<16xf32>
        %swap3A_458 = arith.index_cast %add3A_442 : i32 to index
        %swap3A_459 = arith.constant 16 : index
        %swap3A_460 = tpu.vector_load %arg7[%swap3A_458, %swap3A_459] {strides = array<i32>} : memref<256x128xf32, #tpu.memory_space<vmem>>, vector<1x16xf32>,
        %swap3A_461 = vector.shape_cast %swap3A_460 : vector<1x16xf32> to vector<16xf32>
        %swap3A_462 = vector.shape_cast %add3A_457 : vector<16xf32> to vector<1x16xf32>
        tpu.vector_store %arg7[%swap3A_458, %swap3A_459], %swap3A_462 {strides = array<i32>} : memref<256x128xf32, #tpu.memory_space<vmem>>, vector<1x16xf32>,
        %get3A_463 = arith.index_cast %add3A_442 : i32 to index
        %get3A_464 = arith.constant 32 : index
        %get3A_465 = tpu.vector_load %arg7[%get3A_463, %get3A_464] {strides = array<i32>} : memref<256x128xf32, #tpu.memory_space<vmem>>, vector<1x16xf32>,
        %get3A_466 = vector.shape_cast %get3A_465 : vector<1x16xf32> to vector<16xf32>
        %add3A_467 = arith.addf %get3A_466, %get3A_154 : vector<16xf32>
        %swap3A_468 = arith.index_cast %add3A_442 : i32 to index
        %swap3A_469 = arith.constant 32 : index
        %swap3A_470 = tpu.vector_load %arg7[%swap3A_468, %swap3A_469] {strides = array<i32>} : memref<256x128xf32, #tpu.memory_space<vmem>>, vector<1x16xf32>,
        %swap3A_471 = vector.shape_cast %swap3A_470 : vector<1x16xf32> to vector<16xf32>
        %swap3A_472 = vector.shape_cast %add3A_467 : vector<16xf32> to vector<1x16xf32>
        tpu.vector_store %arg7[%swap3A_468, %swap3A_469], %swap3A_472 {strides = array<i32>} : memref<256x128xf32, #tpu.memory_space<vmem>>, vector<1x16xf32>,
        %get3A_473 = arith.index_cast %add3A_442 : i32 to index
        %get3A_474 = arith.constant 48 : index
        %get3A_475 = tpu.vector_load %arg7[%get3A_473, %get3A_474] {strides = array<i32>} : memref<256x128xf32, #tpu.memory_space<vmem>>, vector<1x16xf32>,
        %get3A_476 = vector.shape_cast %get3A_475 : vector<1x16xf32> to vector<16xf32>
        %add3A_477 = arith.addf %get3A_476, %get3A_161 : vector<16xf32>
        %swap3A_478 = arith.index_cast %add3A_442 : i32 to index
        %swap3A_479 = arith.constant 48 : index
        %swap3A_480 = tpu.vector_load %arg7[%swap3A_478, %swap3A_479] {strides = array<i32>} : memref<256x128xf32, #tpu.memory_space<vmem>>, vector<1x16xf32>,
        %swap3A_481 = vector.shape_cast %swap3A_480 : vector<1x16xf32> to vector<16xf32>
        %swap3A_482 = vector.shape_cast %add3A_477 : vector<16xf32> to vector<1x16xf32>
        tpu.vector_store %arg7[%swap3A_478, %swap3A_479], %swap3A_482 {strides = array<i32>} : memref<256x128xf32, #tpu.memory_space<vmem>>, vector<1x16xf32>,
        %mul3A_483 = arith.constant 16 : i32
        %mul3A_484 = arith.muli %scan3A_134, %mul3A_483 : i32
        %add3A_485 = arith.constant 0 : i32
        %add3A_486 = arith.addi %add3A_485, %mul3A_484 : i32
        %add3A_487 = arith.constant 7 : i32
        %add3A_488 = arith.addi %add3A_486, %add3A_487 : i32
        %get3A_489 = arith.index_cast %add3A_488 : i32 to index
        %get3A_490 = arith.constant 0 : index
        %get3A_491 = tpu.vector_load %arg7[%get3A_489, %get3A_490] {strides = array<i32>} : memref<256x128xf32, #tpu.memory_space<vmem>>, vector<1x16xf32>,
        %get3A_492 = vector.shape_cast %get3A_491 : vector<1x16xf32> to vector<16xf32>
        %add3A_493 = arith.addf %get3A_492, %get3A_140 : vector<16xf32>
        %swap3A_494 = arith.index_cast %add3A_488 : i32 to index
        %swap3A_495 = arith.constant 0 : index
        %swap3A_496 = tpu.vector_load %arg7[%swap3A_494, %swap3A_495] {strides = array<i32>} : memref<256x128xf32, #tpu.memory_space<vmem>>, vector<1x16xf32>,
        %swap3A_497 = vector.shape_cast %swap3A_496 : vector<1x16xf32> to vector<16xf32>
        %swap3A_498 = vector.shape_cast %add3A_493 : vector<16xf32> to vector<1x16xf32>
        tpu.vector_store %arg7[%swap3A_494, %swap3A_495], %swap3A_498 {strides = array<i32>} : memref<256x128xf32, #tpu.memory_space<vmem>>, vector<1x16xf32>,
        %get3A_499 = arith.index_cast %add3A_488 : i32 to index
        %get3A_500 = arith.constant 16 : index
        %get3A_501 = tpu.vector_load %arg7[%get3A_499, %get3A_500] {strides = array<i32>} : memref<256x128xf32, #tpu.memory_space<vmem>>, vector<1x16xf32>,
        %get3A_502 = vector.shape_cast %get3A_501 : vector<1x16xf32> to vector<16xf32>
        %add3A_503 = arith.addf %get3A_502, %get3A_147 : vector<16xf32>
        %swap3A_504 = arith.index_cast %add3A_488 : i32 to index
        %swap3A_505 = arith.constant 16 : index
        %swap3A_506 = tpu.vector_load %arg7[%swap3A_504, %swap3A_505] {strides = array<i32>} : memref<256x128xf32, #tpu.memory_space<vmem>>, vector<1x16xf32>,
        %swap3A_507 = vector.shape_cast %swap3A_506 : vector<1x16xf32> to vector<16xf32>
        %swap3A_508 = vector.shape_cast %add3A_503 : vector<16xf32> to vector<1x16xf32>
        tpu.vector_store %arg7[%swap3A_504, %swap3A_505], %swap3A_508 {strides = array<i32>} : memref<256x128xf32, #tpu.memory_space<vmem>>, vector<1x16xf32>,
        %get3A_509 = arith.index_cast %add3A_488 : i32 to index
        %get3A_510 = arith.constant 32 : index
        %get3A_511 = tpu.vector_load %arg7[%get3A_509, %get3A_510] {strides = array<i32>} : memref<256x128xf32, #tpu.memory_space<vmem>>, vector<1x16xf32>,
        %get3A_512 = vector.shape_cast %get3A_511 : vector<1x16xf32> to vector<16xf32>
        %add3A_513 = arith.addf %get3A_512, %get3A_154 : vector<16xf32>
        %swap3A_514 = arith.index_cast %add3A_488 : i32 to index
        %swap3A_515 = arith.constant 32 : index
        %swap3A_516 = tpu.vector_load %arg7[%swap3A_514, %swap3A_515] {strides = array<i32>} : memref<256x128xf32, #tpu.memory_space<vmem>>, vector<1x16xf32>,
        %swap3A_517 = vector.shape_cast %swap3A_516 : vector<1x16xf32> to vector<16xf32>
        %swap3A_518 = vector.shape_cast %add3A_513 : vector<16xf32> to vector<1x16xf32>
        tpu.vector_store %arg7[%swap3A_514, %swap3A_515], %swap3A_518 {strides = array<i32>} : memref<256x128xf32, #tpu.memory_space<vmem>>, vector<1x16xf32>,
        %get3A_519 = arith.index_cast %add3A_488 : i32 to index
        %get3A_520 = arith.constant 48 : index
        %get3A_521 = tpu.vector_load %arg7[%get3A_519, %get3A_520] {strides = array<i32>} : memref<256x128xf32, #tpu.memory_space<vmem>>, vector<1x16xf32>,
        %get3A_522 = vector.shape_cast %get3A_521 : vector<1x16xf32> to vector<16xf32>
        %add3A_523 = arith.addf %get3A_522, %get3A_161 : vector<16xf32>
        %swap3A_524 = arith.index_cast %add3A_488 : i32 to index
        %swap3A_525 = arith.constant 48 : index
        %swap3A_526 = tpu.vector_load %arg7[%swap3A_524, %swap3A_525] {strides = array<i32>} : memref<256x128xf32, #tpu.memory_space<vmem>>, vector<1x16xf32>,
        %swap3A_527 = vector.shape_cast %swap3A_526 : vector<1x16xf32> to vector<16xf32>
        %swap3A_528 = vector.shape_cast %add3A_523 : vector<16xf32> to vector<1x16xf32>
        tpu.vector_store %arg7[%swap3A_524, %swap3A_525], %swap3A_528 {strides = array<i32>} : memref<256x128xf32, #tpu.memory_space<vmem>>, vector<1x16xf32>,
        %mul3A_529 = arith.constant 16 : i32
        %mul3A_530 = arith.muli %scan3A_134, %mul3A_529 : i32
        %add3A_531 = arith.constant 0 : i32
        %add3A_532 = arith.addi %add3A_531, %mul3A_530 : i32
        %add3A_533 = arith.constant 8 : i32
        %add3A_534 = arith.addi %add3A_532, %add3A_533 : i32
        %get3A_535 = arith.index_cast %add3A_534 : i32 to index
        %get3A_536 = arith.constant 0 : index
        %get3A_537 = tpu.vector_load %arg7[%get3A_535, %get3A_536] {strides = array<i32>} : memref<256x128xf32, #tpu.memory_space<vmem>>, vector<1x16xf32>,
        %get3A_538 = vector.shape_cast %get3A_537 : vector<1x16xf32> to vector<16xf32>
        %add3A_539 = arith.addf %get3A_538, %get3A_140 : vector<16xf32>
        %swap3A_540 = arith.index_cast %add3A_534 : i32 to index
        %swap3A_541 = arith.constant 0 : index
        %swap3A_542 = tpu.vector_load %arg7[%swap3A_540, %swap3A_541] {strides = array<i32>} : memref<256x128xf32, #tpu.memory_space<vmem>>, vector<1x16xf32>,
        %swap3A_543 = vector.shape_cast %swap3A_542 : vector<1x16xf32> to vector<16xf32>
        %swap3A_544 = vector.shape_cast %add3A_539 : vector<16xf32> to vector<1x16xf32>
        tpu.vector_store %arg7[%swap3A_540, %swap3A_541], %swap3A_544 {strides = array<i32>} : memref<256x128xf32, #tpu.memory_space<vmem>>, vector<1x16xf32>,
        %get3A_545 = arith.index_cast %add3A_534 : i32 to index
        %get3A_546 = arith.constant 16 : index
        %get3A_547 = tpu.vector_load %arg7[%get3A_545, %get3A_546] {strides = array<i32>} : memref<256x128xf32, #tpu.memory_space<vmem>>, vector<1x16xf32>,
        %get3A_548 = vector.shape_cast %get3A_547 : vector<1x16xf32> to vector<16xf32>
        %add3A_549 = arith.addf %get3A_548, %get3A_147 : vector<16xf32>
        %swap3A_550 = arith.index_cast %add3A_534 : i32 to index
        %swap3A_551 = arith.constant 16 : index
        %swap3A_552 = tpu.vector_load %arg7[%swap3A_550, %swap3A_551] {strides = array<i32>} : memref<256x128xf32, #tpu.memory_space<vmem>>, vector<1x16xf32>,
        %swap3A_553 = vector.shape_cast %swap3A_552 : vector<1x16xf32> to vector<16xf32>
        %swap3A_554 = vector.shape_cast %add3A_549 : vector<16xf32> to vector<1x16xf32>
        tpu.vector_store %arg7[%swap3A_550, %swap3A_551], %swap3A_554 {strides = array<i32>} : memref<256x128xf32, #tpu.memory_space<vmem>>, vector<1x16xf32>,
        %get3A_555 = arith.index_cast %add3A_534 : i32 to index
        %get3A_556 = arith.constant 32 : index
        %get3A_557 = tpu.vector_load %arg7[%get3A_555, %get3A_556] {strides = array<i32>} : memref<256x128xf32, #tpu.memory_space<vmem>>, vector<1x16xf32>,
        %get3A_558 = vector.shape_cast %get3A_557 : vector<1x16xf32> to vector<16xf32>
        %add3A_559 = arith.addf %get3A_558, %get3A_154 : vector<16xf32>
        %swap3A_560 = arith.index_cast %add3A_534 : i32 to index
        %swap3A_561 = arith.constant 32 : index
        %swap3A_562 = tpu.vector_load %arg7[%swap3A_560, %swap3A_561] {strides = array<i32>} : memref<256x128xf32, #tpu.memory_space<vmem>>, vector<1x16xf32>,
        %swap3A_563 = vector.shape_cast %swap3A_562 : vector<1x16xf32> to vector<16xf32>
        %swap3A_564 = vector.shape_cast %add3A_559 : vector<16xf32> to vector<1x16xf32>
        tpu.vector_store %arg7[%swap3A_560, %swap3A_561], %swap3A_564 {strides = array<i32>} : memref<256x128xf32, #tpu.memory_space<vmem>>, vector<1x16xf32>,
        %get3A_565 = arith.index_cast %add3A_534 : i32 to index
        %get3A_566 = arith.constant 48 : index
        %get3A_567 = tpu.vector_load %arg7[%get3A_565, %get3A_566] {strides = array<i32>} : memref<256x128xf32, #tpu.memory_space<vmem>>, vector<1x16xf32>,
        %get3A_568 = vector.shape_cast %get3A_567 : vector<1x16xf32> to vector<16xf32>
        %add3A_569 = arith.addf %get3A_568, %get3A_161 : vector<16xf32>
        %swap3A_570 = arith.index_cast %add3A_534 : i32 to index
        %swap3A_571 = arith.constant 48 : index
        %swap3A_572 = tpu.vector_load %arg7[%swap3A_570, %swap3A_571] {strides = array<i32>} : memref<256x128xf32, #tpu.memory_space<vmem>>, vector<1x16xf32>,
        %swap3A_573 = vector.shape_cast %swap3A_572 : vector<1x16xf32> to vector<16xf32>
        %swap3A_574 = vector.shape_cast %add3A_569 : vector<16xf32> to vector<1x16xf32>
        tpu.vector_store %arg7[%swap3A_570, %swap3A_571], %swap3A_574 {strides = array<i32>} : memref<256x128xf32, #tpu.memory_space<vmem>>, vector<1x16xf32>,
        %mul3A_575 = arith.constant 16 : i32
        %mul3A_576 = arith.muli %scan3A_134, %mul3A_575 : i32
        %add3A_577 = arith.constant 0 : i32
        %add3A_578 = arith.addi %add3A_577, %mul3A_576 : i32
        %add3A_579 = arith.constant 9 : i32
        %add3A_580 = arith.addi %add3A_578, %add3A_579 : i32
        %get3A_581 = arith.index_cast %add3A_580 : i32 to index
        %get3A_582 = arith.constant 0 : index
        %get3A_583 = tpu.vector_load %arg7[%get3A_581, %get3A_582] {strides = array<i32>} : memref<256x128xf32, #tpu.memory_space<vmem>>, vector<1x16xf32>,
        %get3A_584 = vector.shape_cast %get3A_583 : vector<1x16xf32> to vector<16xf32>
        %add3A_585 = arith.addf %get3A_584, %get3A_140 : vector<16xf32>
        %swap3A_586 = arith.index_cast %add3A_580 : i32 to index
        %swap3A_587 = arith.constant 0 : index
        %swap3A_588 = tpu.vector_load %arg7[%swap3A_586, %swap3A_587] {strides = array<i32>} : memref<256x128xf32, #tpu.memory_space<vmem>>, vector<1x16xf32>,
        %swap3A_589 = vector.shape_cast %swap3A_588 : vector<1x16xf32> to vector<16xf32>
        %swap3A_590 = vector.shape_cast %add3A_585 : vector<16xf32> to vector<1x16xf32>
        tpu.vector_store %arg7[%swap3A_586, %swap3A_587], %swap3A_590 {strides = array<i32>} : memref<256x128xf32, #tpu.memory_space<vmem>>, vector<1x16xf32>,
        %get3A_591 = arith.index_cast %add3A_580 : i32 to index
        %get3A_592 = arith.constant 16 : index
        %get3A_593 = tpu.vector_load %arg7[%get3A_591, %get3A_592] {strides = array<i32>} : memref<256x128xf32, #tpu.memory_space<vmem>>, vector<1x16xf32>,
        %get3A_594 = vector.shape_cast %get3A_593 : vector<1x16xf32> to vector<16xf32>
        %add3A_595 = arith.addf %get3A_594, %get3A_147 : vector<16xf32>
        %swap3A_596 = arith.index_cast %add3A_580 : i32 to index
        %swap3A_597 = arith.constant 16 : index
        %swap3A_598 = tpu.vector_load %arg7[%swap3A_596, %swap3A_597] {strides = array<i32>} : memref<256x128xf32, #tpu.memory_space<vmem>>, vector<1x16xf32>,
        %swap3A_599 = vector.shape_cast %swap3A_598 : vector<1x16xf32> to vector<16xf32>
        %swap3A_600 = vector.shape_cast %add3A_595 : vector<16xf32> to vector<1x16xf32>
        tpu.vector_store %arg7[%swap3A_596, %swap3A_597], %swap3A_600 {strides = array<i32>} : memref<256x128xf32, #tpu.memory_space<vmem>>, vector<1x16xf32>,
        %get3A_601 = arith.index_cast %add3A_580 : i32 to index
        %get3A_602 = arith.constant 32 : index
        %get3A_603 = tpu.vector_load %arg7[%get3A_601, %get3A_602] {strides = array<i32>} : memref<256x128xf32, #tpu.memory_space<vmem>>, vector<1x16xf32>,
        %get3A_604 = vector.shape_cast %get3A_603 : vector<1x16xf32> to vector<16xf32>
        %add3A_605 = arith.addf %get3A_604, %get3A_154 : vector<16xf32>
        %swap3A_606 = arith.index_cast %add3A_580 : i32 to index
        %swap3A_607 = arith.constant 32 : index
        %swap3A_608 = tpu.vector_load %arg7[%swap3A_606, %swap3A_607] {strides = array<i32>} : memref<256x128xf32, #tpu.memory_space<vmem>>, vector<1x16xf32>,
        %swap3A_609 = vector.shape_cast %swap3A_608 : vector<1x16xf32> to vector<16xf32>
        %swap3A_610 = vector.shape_cast %add3A_605 : vector<16xf32> to vector<1x16xf32>
        tpu.vector_store %arg7[%swap3A_606, %swap3A_607], %swap3A_610 {strides = array<i32>} : memref<256x128xf32, #tpu.memory_space<vmem>>, vector<1x16xf32>,
        %get3A_611 = arith.index_cast %add3A_580 : i32 to index
        %get3A_612 = arith.constant 48 : index
        %get3A_613 = tpu.vector_load %arg7[%get3A_611, %get3A_612] {strides = array<i32>} : memref<256x128xf32, #tpu.memory_space<vmem>>, vector<1x16xf32>,
        %get3A_614 = vector.shape_cast %get3A_613 : vector<1x16xf32> to vector<16xf32>
        %add3A_615 = arith.addf %get3A_614, %get3A_161 : vector<16xf32>
        %swap3A_616 = arith.index_cast %add3A_580 : i32 to index
        %swap3A_617 = arith.constant 48 : index
        %swap3A_618 = tpu.vector_load %arg7[%swap3A_616, %swap3A_617] {strides = array<i32>} : memref<256x128xf32, #tpu.memory_space<vmem>>, vector<1x16xf32>,
        %swap3A_619 = vector.shape_cast %swap3A_618 : vector<1x16xf32> to vector<16xf32>
        %swap3A_620 = vector.shape_cast %add3A_615 : vector<16xf32> to vector<1x16xf32>
        tpu.vector_store %arg7[%swap3A_616, %swap3A_617], %swap3A_620 {strides = array<i32>} : memref<256x128xf32, #tpu.memory_space<vmem>>, vector<1x16xf32>,
        %mul3A_621 = arith.constant 16 : i32
        %mul3A_622 = arith.muli %scan3A_134, %mul3A_621 : i32
        %add3A_623 = arith.constant 0 : i32
        %add3A_624 = arith.addi %add3A_623, %mul3A_622 : i32
        %add3A_625 = arith.constant 10 : i32
        %add3A_626 = arith.addi %add3A_624, %add3A_625 : i32
        %get3A_627 = arith.index_cast %add3A_626 : i32 to index
        %get3A_628 = arith.constant 0 : index
        %get3A_629 = tpu.vector_load %arg7[%get3A_627, %get3A_628] {strides = array<i32>} : memref<256x128xf32, #tpu.memory_space<vmem>>, vector<1x16xf32>,
        %get3A_630 = vector.shape_cast %get3A_629 : vector<1x16xf32> to vector<16xf32>
        %add3A_631 = arith.addf %get3A_630, %get3A_140 : vector<16xf32>
        %swap3A_632 = arith.index_cast %add3A_626 : i32 to index
        %swap3A_633 = arith.constant 0 : index
        %swap3A_634 = tpu.vector_load %arg7[%swap3A_632, %swap3A_633] {strides = array<i32>} : memref<256x128xf32, #tpu.memory_space<vmem>>, vector<1x16xf32>,
        %swap3A_635 = vector.shape_cast %swap3A_634 : vector<1x16xf32> to vector<16xf32>
        %swap3A_636 = vector.shape_cast %add3A_631 : vector<16xf32> to vector<1x16xf32>
        tpu.vector_store %arg7[%swap3A_632, %swap3A_633], %swap3A_636 {strides = array<i32>} : memref<256x128xf32, #tpu.memory_space<vmem>>, vector<1x16xf32>,
        %get3A_637 = arith.index_cast %add3A_626 : i32 to index
        %get3A_638 = arith.constant 16 : index
        %get3A_639 = tpu.vector_load %arg7[%get3A_637, %get3A_638] {strides = array<i32>} : memref<256x128xf32, #tpu.memory_space<vmem>>, vector<1x16xf32>,
        %get3A_640 = vector.shape_cast %get3A_639 : vector<1x16xf32> to vector<16xf32>
        %add3A_641 = arith.addf %get3A_640, %get3A_147 : vector<16xf32>
        %swap3A_642 = arith.index_cast %add3A_626 : i32 to index
        %swap3A_643 = arith.constant 16 : index
        %swap3A_644 = tpu.vector_load %arg7[%swap3A_642, %swap3A_643] {strides = array<i32>} : memref<256x128xf32, #tpu.memory_space<vmem>>, vector<1x16xf32>,
        %swap3A_645 = vector.shape_cast %swap3A_644 : vector<1x16xf32> to vector<16xf32>
        %swap3A_646 = vector.shape_cast %add3A_641 : vector<16xf32> to vector<1x16xf32>
        tpu.vector_store %arg7[%swap3A_642, %swap3A_643], %swap3A_646 {strides = array<i32>} : memref<256x128xf32, #tpu.memory_space<vmem>>, vector<1x16xf32>,
        %get3A_647 = arith.index_cast %add3A_626 : i32 to index
        %get3A_648 = arith.constant 32 : index
        %get3A_649 = tpu.vector_load %arg7[%get3A_647, %get3A_648] {strides = array<i32>} : memref<256x128xf32, #tpu.memory_space<vmem>>, vector<1x16xf32>,
        %get3A_650 = vector.shape_cast %get3A_649 : vector<1x16xf32> to vector<16xf32>
        %add3A_651 = arith.addf %get3A_650, %get3A_154 : vector<16xf32>
        %swap3A_652 = arith.index_cast %add3A_626 : i32 to index
        %swap3A_653 = arith.constant 32 : index
        %swap3A_654 = tpu.vector_load %arg7[%swap3A_652, %swap3A_653] {strides = array<i32>} : memref<256x128xf32, #tpu.memory_space<vmem>>, vector<1x16xf32>,
        %swap3A_655 = vector.shape_cast %swap3A_654 : vector<1x16xf32> to vector<16xf32>
        %swap3A_656 = vector.shape_cast %add3A_651 : vector<16xf32> to vector<1x16xf32>
        tpu.vector_store %arg7[%swap3A_652, %swap3A_653], %swap3A_656 {strides = array<i32>} : memref<256x128xf32, #tpu.memory_space<vmem>>, vector<1x16xf32>,
        %get3A_657 = arith.index_cast %add3A_626 : i32 to index
        %get3A_658 = arith.constant 48 : index
        %get3A_659 = tpu.vector_load %arg7[%get3A_657, %get3A_658] {strides = array<i32>} : memref<256x128xf32, #tpu.memory_space<vmem>>, vector<1x16xf32>,
        %get3A_660 = vector.shape_cast %get3A_659 : vector<1x16xf32> to vector<16xf32>
        %add3A_661 = arith.addf %get3A_660, %get3A_161 : vector<16xf32>
        %swap3A_662 = arith.index_cast %add3A_626 : i32 to index
        %swap3A_663 = arith.constant 48 : index
        %swap3A_664 = tpu.vector_load %arg7[%swap3A_662, %swap3A_663] {strides = array<i32>} : memref<256x128xf32, #tpu.memory_space<vmem>>, vector<1x16xf32>,
        %swap3A_665 = vector.shape_cast %swap3A_664 : vector<1x16xf32> to vector<16xf32>
        %swap3A_666 = vector.shape_cast %add3A_661 : vector<16xf32> to vector<1x16xf32>
        tpu.vector_store %arg7[%swap3A_662, %swap3A_663], %swap3A_666 {strides = array<i32>} : memref<256x128xf32, #tpu.memory_space<vmem>>, vector<1x16xf32>,
        %mul3A_667 = arith.constant 16 : i32
        %mul3A_668 = arith.muli %scan3A_134, %mul3A_667 : i32
        %add3A_669 = arith.constant 0 : i32
        %add3A_670 = arith.addi %add3A_669, %mul3A_668 : i32
        %add3A_671 = arith.constant 11 : i32
        %add3A_672 = arith.addi %add3A_670, %add3A_671 : i32
        %get3A_673 = arith.index_cast %add3A_672 : i32 to index
        %get3A_674 = arith.constant 0 : index
        %get3A_675 = tpu.vector_load %arg7[%get3A_673, %get3A_674] {strides = array<i32>} : memref<256x128xf32, #tpu.memory_space<vmem>>, vector<1x16xf32>,
        %get3A_676 = vector.shape_cast %get3A_675 : vector<1x16xf32> to vector<16xf32>
        %add3A_677 = arith.addf %get3A_676, %get3A_140 : vector<16xf32>
        %swap3A_678 = arith.index_cast %add3A_672 : i32 to index
        %swap3A_679 = arith.constant 0 : index
        %swap3A_680 = tpu.vector_load %arg7[%swap3A_678, %swap3A_679] {strides = array<i32>} : memref<256x128xf32, #tpu.memory_space<vmem>>, vector<1x16xf32>,
        %swap3A_681 = vector.shape_cast %swap3A_680 : vector<1x16xf32> to vector<16xf32>
        %swap3A_682 = vector.shape_cast %add3A_677 : vector<16xf32> to vector<1x16xf32>
        tpu.vector_store %arg7[%swap3A_678, %swap3A_679], %swap3A_682 {strides = array<i32>} : memref<256x128xf32, #tpu.memory_space<vmem>>, vector<1x16xf32>,
        %get3A_683 = arith.index_cast %add3A_672 : i32 to index
        %get3A_684 = arith.constant 16 : index
        %get3A_685 = tpu.vector_load %arg7[%get3A_683, %get3A_684] {strides = array<i32>} : memref<256x128xf32, #tpu.memory_space<vmem>>, vector<1x16xf32>,
        %get3A_686 = vector.shape_cast %get3A_685 : vector<1x16xf32> to vector<16xf32>
        %add3A_687 = arith.addf %get3A_686, %get3A_147 : vector<16xf32>
        %swap3A_688 = arith.index_cast %add3A_672 : i32 to index
        %swap3A_689 = arith.constant 16 : index
        %swap3A_690 = tpu.vector_load %arg7[%swap3A_688, %swap3A_689] {strides = array<i32>} : memref<256x128xf32, #tpu.memory_space<vmem>>, vector<1x16xf32>,
        %swap3A_691 = vector.shape_cast %swap3A_690 : vector<1x16xf32> to vector<16xf32>
        %swap3A_692 = vector.shape_cast %add3A_687 : vector<16xf32> to vector<1x16xf32>
        tpu.vector_store %arg7[%swap3A_688, %swap3A_689], %swap3A_692 {strides = array<i32>} : memref<256x128xf32, #tpu.memory_space<vmem>>, vector<1x16xf32>,
        %get3A_693 = arith.index_cast %add3A_672 : i32 to index
        %get3A_694 = arith.constant 32 : index
        %get3A_695 = tpu.vector_load %arg7[%get3A_693, %get3A_694] {strides = array<i32>} : memref<256x128xf32, #tpu.memory_space<vmem>>, vector<1x16xf32>,
        %get3A_696 = vector.shape_cast %get3A_695 : vector<1x16xf32> to vector<16xf32>
        %add3A_697 = arith.addf %get3A_696, %get3A_154 : vector<16xf32>
        %swap3A_698 = arith.index_cast %add3A_672 : i32 to index
        %swap3A_699 = arith.constant 32 : index
        %swap3A_700 = tpu.vector_load %arg7[%swap3A_698, %swap3A_699] {strides = array<i32>} : memref<256x128xf32, #tpu.memory_space<vmem>>, vector<1x16xf32>,
        %swap3A_701 = vector.shape_cast %swap3A_700 : vector<1x16xf32> to vector<16xf32>
        %swap3A_702 = vector.shape_cast %add3A_697 : vector<16xf32> to vector<1x16xf32>
        tpu.vector_store %arg7[%swap3A_698, %swap3A_699], %swap3A_702 {strides = array<i32>} : memref<256x128xf32, #tpu.memory_space<vmem>>, vector<1x16xf32>,
        %get3A_703 = arith.index_cast %add3A_672 : i32 to index
        %get3A_704 = arith.constant 48 : index
        %get3A_705 = tpu.vector_load %arg7[%get3A_703, %get3A_704] {strides = array<i32>} : memref<256x128xf32, #tpu.memory_space<vmem>>, vector<1x16xf32>,
        %get3A_706 = vector.shape_cast %get3A_705 : vector<1x16xf32> to vector<16xf32>
        %add3A_707 = arith.addf %get3A_706, %get3A_161 : vector<16xf32>
        %swap3A_708 = arith.index_cast %add3A_672 : i32 to index
        %swap3A_709 = arith.constant 48 : index
        %swap3A_710 = tpu.vector_load %arg7[%swap3A_708, %swap3A_709] {strides = array<i32>} : memref<256x128xf32, #tpu.memory_space<vmem>>, vector<1x16xf32>,
        %swap3A_711 = vector.shape_cast %swap3A_710 : vector<1x16xf32> to vector<16xf32>
        %swap3A_712 = vector.shape_cast %add3A_707 : vector<16xf32> to vector<1x16xf32>
        tpu.vector_store %arg7[%swap3A_708, %swap3A_709], %swap3A_712 {strides = array<i32>} : memref<256x128xf32, #tpu.memory_space<vmem>>, vector<1x16xf32>,
        %mul3A_713 = arith.constant 16 : i32
        %mul3A_714 = arith.muli %scan3A_134, %mul3A_713 : i32
        %add3A_715 = arith.constant 0 : i32
        %add3A_716 = arith.addi %add3A_715, %mul3A_714 : i32
        %add3A_717 = arith.constant 12 : i32
        %add3A_718 = arith.addi %add3A_716, %add3A_717 : i32
        %get3A_719 = arith.index_cast %add3A_718 : i32 to index
        %get3A_720 = arith.constant 0 : index
        %get3A_721 = tpu.vector_load %arg7[%get3A_719, %get3A_720] {strides = array<i32>} : memref<256x128xf32, #tpu.memory_space<vmem>>, vector<1x16xf32>,
        %get3A_722 = vector.shape_cast %get3A_721 : vector<1x16xf32> to vector<16xf32>
        %add3A_723 = arith.addf %get3A_722, %get3A_140 : vector<16xf32>
        %swap3A_724 = arith.index_cast %add3A_718 : i32 to index
        %swap3A_725 = arith.constant 0 : index
        %swap3A_726 = tpu.vector_load %arg7[%swap3A_724, %swap3A_725] {strides = array<i32>} : memref<256x128xf32, #tpu.memory_space<vmem>>, vector<1x16xf32>,
        %swap3A_727 = vector.shape_cast %swap3A_726 : vector<1x16xf32> to vector<16xf32>
        %swap3A_728 = vector.shape_cast %add3A_723 : vector<16xf32> to vector<1x16xf32>
        tpu.vector_store %arg7[%swap3A_724, %swap3A_725], %swap3A_728 {strides = array<i32>} : memref<256x128xf32, #tpu.memory_space<vmem>>, vector<1x16xf32>,
        %get3A_729 = arith.index_cast %add3A_718 : i32 to index
        %get3A_730 = arith.constant 16 : index
        %get3A_731 = tpu.vector_load %arg7[%get3A_729, %get3A_730] {strides = array<i32>} : memref<256x128xf32, #tpu.memory_space<vmem>>, vector<1x16xf32>,
        %get3A_732 = vector.shape_cast %get3A_731 : vector<1x16xf32> to vector<16xf32>
        %add3A_733 = arith.addf %get3A_732, %get3A_147 : vector<16xf32>
        %swap3A_734 = arith.index_cast %add3A_718 : i32 to index
        %swap3A_735 = arith.constant 16 : index
        %swap3A_736 = tpu.vector_load %arg7[%swap3A_734, %swap3A_735] {strides = array<i32>} : memref<256x128xf32, #tpu.memory_space<vmem>>, vector<1x16xf32>,
        %swap3A_737 = vector.shape_cast %swap3A_736 : vector<1x16xf32> to vector<16xf32>
        %swap3A_738 = vector.shape_cast %add3A_733 : vector<16xf32> to vector<1x16xf32>
        tpu.vector_store %arg7[%swap3A_734, %swap3A_735], %swap3A_738 {strides = array<i32>} : memref<256x128xf32, #tpu.memory_space<vmem>>, vector<1x16xf32>,
        %get3A_739 = arith.index_cast %add3A_718 : i32 to index
        %get3A_740 = arith.constant 32 : index
        %get3A_741 = tpu.vector_load %arg7[%get3A_739, %get3A_740] {strides = array<i32>} : memref<256x128xf32, #tpu.memory_space<vmem>>, vector<1x16xf32>,
        %get3A_742 = vector.shape_cast %get3A_741 : vector<1x16xf32> to vector<16xf32>
        %add3A_743 = arith.addf %get3A_742, %get3A_154 : vector<16xf32>
        %swap3A_744 = arith.index_cast %add3A_718 : i32 to index
        %swap3A_745 = arith.constant 32 : index
        %swap3A_746 = tpu.vector_load %arg7[%swap3A_744, %swap3A_745] {strides = array<i32>} : memref<256x128xf32, #tpu.memory_space<vmem>>, vector<1x16xf32>,
        %swap3A_747 = vector.shape_cast %swap3A_746 : vector<1x16xf32> to vector<16xf32>
        %swap3A_748 = vector.shape_cast %add3A_743 : vector<16xf32> to vector<1x16xf32>
        tpu.vector_store %arg7[%swap3A_744, %swap3A_745], %swap3A_748 {strides = array<i32>} : memref<256x128xf32, #tpu.memory_space<vmem>>, vector<1x16xf32>,
        %get3A_749 = arith.index_cast %add3A_718 : i32 to index
        %get3A_750 = arith.constant 48 : index
        %get3A_751 = tpu.vector_load %arg7[%get3A_749, %get3A_750] {strides = array<i32>} : memref<256x128xf32, #tpu.memory_space<vmem>>, vector<1x16xf32>,
        %get3A_752 = vector.shape_cast %get3A_751 : vector<1x16xf32> to vector<16xf32>
        %add3A_753 = arith.addf %get3A_752, %get3A_161 : vector<16xf32>
        %swap3A_754 = arith.index_cast %add3A_718 : i32 to index
        %swap3A_755 = arith.constant 48 : index
        %swap3A_756 = tpu.vector_load %arg7[%swap3A_754, %swap3A_755] {strides = array<i32>} : memref<256x128xf32, #tpu.memory_space<vmem>>, vector<1x16xf32>,
        %swap3A_757 = vector.shape_cast %swap3A_756 : vector<1x16xf32> to vector<16xf32>
        %swap3A_758 = vector.shape_cast %add3A_753 : vector<16xf32> to vector<1x16xf32>
        tpu.vector_store %arg7[%swap3A_754, %swap3A_755], %swap3A_758 {strides = array<i32>} : memref<256x128xf32, #tpu.memory_space<vmem>>, vector<1x16xf32>,
        %mul3A_759 = arith.constant 16 : i32
        %mul3A_760 = arith.muli %scan3A_134, %mul3A_759 : i32
        %add3A_761 = arith.constant 0 : i32
        %add3A_762 = arith.addi %add3A_761, %mul3A_760 : i32
        %add3A_763 = arith.constant 13 : i32
        %add3A_764 = arith.addi %add3A_762, %add3A_763 : i32
        %get3A_765 = arith.index_cast %add3A_764 : i32 to index
        %get3A_766 = arith.constant 0 : index
        %get3A_767 = tpu.vector_load %arg7[%get3A_765, %get3A_766] {strides = array<i32>} : memref<256x128xf32, #tpu.memory_space<vmem>>, vector<1x16xf32>,
        %get3A_768 = vector.shape_cast %get3A_767 : vector<1x16xf32> to vector<16xf32>
        %add3A_769 = arith.addf %get3A_768, %get3A_140 : vector<16xf32>
        %swap3A_770 = arith.index_cast %add3A_764 : i32 to index
        %swap3A_771 = arith.constant 0 : index
        %swap3A_772 = tpu.vector_load %arg7[%swap3A_770, %swap3A_771] {strides = array<i32>} : memref<256x128xf32, #tpu.memory_space<vmem>>, vector<1x16xf32>,
        %swap3A_773 = vector.shape_cast %swap3A_772 : vector<1x16xf32> to vector<16xf32>
        %swap3A_774 = vector.shape_cast %add3A_769 : vector<16xf32> to vector<1x16xf32>
        tpu.vector_store %arg7[%swap3A_770, %swap3A_771], %swap3A_774 {strides = array<i32>} : memref<256x128xf32, #tpu.memory_space<vmem>>, vector<1x16xf32>,
        %get3A_775 = arith.index_cast %add3A_764 : i32 to index
        %get3A_776 = arith.constant 16 : index
        %get3A_777 = tpu.vector_load %arg7[%get3A_775, %get3A_776] {strides = array<i32>} : memref<256x128xf32, #tpu.memory_space<vmem>>, vector<1x16xf32>,
        %get3A_778 = vector.shape_cast %get3A_777 : vector<1x16xf32> to vector<16xf32>
        %add3A_779 = arith.addf %get3A_778, %get3A_147 : vector<16xf32>
        %swap3A_780 = arith.index_cast %add3A_764 : i32 to index
        %swap3A_781 = arith.constant 16 : index
        %swap3A_782 = tpu.vector_load %arg7[%swap3A_780, %swap3A_781] {strides = array<i32>} : memref<256x128xf32, #tpu.memory_space<vmem>>, vector<1x16xf32>,
        %swap3A_783 = vector.shape_cast %swap3A_782 : vector<1x16xf32> to vector<16xf32>
        %swap3A_784 = vector.shape_cast %add3A_779 : vector<16xf32> to vector<1x16xf32>
        tpu.vector_store %arg7[%swap3A_780, %swap3A_781], %swap3A_784 {strides = array<i32>} : memref<256x128xf32, #tpu.memory_space<vmem>>, vector<1x16xf32>,
        %get3A_785 = arith.index_cast %add3A_764 : i32 to index
        %get3A_786 = arith.constant 32 : index
        %get3A_787 = tpu.vector_load %arg7[%get3A_785, %get3A_786] {strides = array<i32>} : memref<256x128xf32, #tpu.memory_space<vmem>>, vector<1x16xf32>,
        %get3A_788 = vector.shape_cast %get3A_787 : vector<1x16xf32> to vector<16xf32>
        %add3A_789 = arith.addf %get3A_788, %get3A_154 : vector<16xf32>
        %swap3A_790 = arith.index_cast %add3A_764 : i32 to index
        %swap3A_791 = arith.constant 32 : index
        %swap3A_792 = tpu.vector_load %arg7[%swap3A_790, %swap3A_791] {strides = array<i32>} : memref<256x128xf32, #tpu.memory_space<vmem>>, vector<1x16xf32>,
        %swap3A_793 = vector.shape_cast %swap3A_792 : vector<1x16xf32> to vector<16xf32>
        %swap3A_794 = vector.shape_cast %add3A_789 : vector<16xf32> to vector<1x16xf32>
        tpu.vector_store %arg7[%swap3A_790, %swap3A_791], %swap3A_794 {strides = array<i32>} : memref<256x128xf32, #tpu.memory_space<vmem>>, vector<1x16xf32>,
        %get3A_795 = arith.index_cast %add3A_764 : i32 to index
        %get3A_796 = arith.constant 48 : index
        %get3A_797 = tpu.vector_load %arg7[%get3A_795, %get3A_796] {strides = array<i32>} : memref<256x128xf32, #tpu.memory_space<vmem>>, vector<1x16xf32>,
        %get3A_798 = vector.shape_cast %get3A_797 : vector<1x16xf32> to vector<16xf32>
        %add3A_799 = arith.addf %get3A_798, %get3A_161 : vector<16xf32>
        %swap3A_800 = arith.index_cast %add3A_764 : i32 to index
        %swap3A_801 = arith.constant 48 : index
        %swap3A_802 = tpu.vector_load %arg7[%swap3A_800, %swap3A_801] {strides = array<i32>} : memref<256x128xf32, #tpu.memory_space<vmem>>, vector<1x16xf32>,
        %swap3A_803 = vector.shape_cast %swap3A_802 : vector<1x16xf32> to vector<16xf32>
        %swap3A_804 = vector.shape_cast %add3A_799 : vector<16xf32> to vector<1x16xf32>
        tpu.vector_store %arg7[%swap3A_800, %swap3A_801], %swap3A_804 {strides = array<i32>} : memref<256x128xf32, #tpu.memory_space<vmem>>, vector<1x16xf32>,
        %mul3A_805 = arith.constant 16 : i32
        %mul3A_806 = arith.muli %scan3A_134, %mul3A_805 : i32
        %add3A_807 = arith.constant 0 : i32
        %add3A_808 = arith.addi %add3A_807, %mul3A_806 : i32
        %add3A_809 = arith.constant 14 : i32
        %add3A_810 = arith.addi %add3A_808, %add3A_809 : i32
        %get3A_811 = arith.index_cast %add3A_810 : i32 to index
        %get3A_812 = arith.constant 0 : index
        %get3A_813 = tpu.vector_load %arg7[%get3A_811, %get3A_812] {strides = array<i32>} : memref<256x128xf32, #tpu.memory_space<vmem>>, vector<1x16xf32>,
        %get3A_814 = vector.shape_cast %get3A_813 : vector<1x16xf32> to vector<16xf32>
        %add3A_815 = arith.addf %get3A_814, %get3A_140 : vector<16xf32>
        %swap3A_816 = arith.index_cast %add3A_810 : i32 to index
        %swap3A_817 = arith.constant 0 : index
        %swap3A_818 = tpu.vector_load %arg7[%swap3A_816, %swap3A_817] {strides = array<i32>} : memref<256x128xf32, #tpu.memory_space<vmem>>, vector<1x16xf32>,
        %swap3A_819 = vector.shape_cast %swap3A_818 : vector<1x16xf32> to vector<16xf32>
        %swap3A_820 = vector.shape_cast %add3A_815 : vector<16xf32> to vector<1x16xf32>
        tpu.vector_store %arg7[%swap3A_816, %swap3A_817], %swap3A_820 {strides = array<i32>} : memref<256x128xf32, #tpu.memory_space<vmem>>, vector<1x16xf32>,
        %get3A_821 = arith.index_cast %add3A_810 : i32 to index
        %get3A_822 = arith.constant 16 : index
        %get3A_823 = tpu.vector_load %arg7[%get3A_821, %get3A_822] {strides = array<i32>} : memref<256x128xf32, #tpu.memory_space<vmem>>, vector<1x16xf32>,
        %get3A_824 = vector.shape_cast %get3A_823 : vector<1x16xf32> to vector<16xf32>
        %add3A_825 = arith.addf %get3A_824, %get3A_147 : vector<16xf32>
        %swap3A_826 = arith.index_cast %add3A_810 : i32 to index
        %swap3A_827 = arith.constant 16 : index
        %swap3A_828 = tpu.vector_load %arg7[%swap3A_826, %swap3A_827] {strides = array<i32>} : memref<256x128xf32, #tpu.memory_space<vmem>>, vector<1x16xf32>,
        %swap3A_829 = vector.shape_cast %swap3A_828 : vector<1x16xf32> to vector<16xf32>
        %swap3A_830 = vector.shape_cast %add3A_825 : vector<16xf32> to vector<1x16xf32>
        tpu.vector_store %arg7[%swap3A_826, %swap3A_827], %swap3A_830 {strides = array<i32>} : memref<256x128xf32, #tpu.memory_space<vmem>>, vector<1x16xf32>,
        %get3A_831 = arith.index_cast %add3A_810 : i32 to index
        %get3A_832 = arith.constant 32 : index
        %get3A_833 = tpu.vector_load %arg7[%get3A_831, %get3A_832] {strides = array<i32>} : memref<256x128xf32, #tpu.memory_space<vmem>>, vector<1x16xf32>,
        %get3A_834 = vector.shape_cast %get3A_833 : vector<1x16xf32> to vector<16xf32>
        %add3A_835 = arith.addf %get3A_834, %get3A_154 : vector<16xf32>
        %swap3A_836 = arith.index_cast %add3A_810 : i32 to index
        %swap3A_837 = arith.constant 32 : index
        %swap3A_838 = tpu.vector_load %arg7[%swap3A_836, %swap3A_837] {strides = array<i32>} : memref<256x128xf32, #tpu.memory_space<vmem>>, vector<1x16xf32>,
        %swap3A_839 = vector.shape_cast %swap3A_838 : vector<1x16xf32> to vector<16xf32>
        %swap3A_840 = vector.shape_cast %add3A_835 : vector<16xf32> to vector<1x16xf32>
        tpu.vector_store %arg7[%swap3A_836, %swap3A_837], %swap3A_840 {strides = array<i32>} : memref<256x128xf32, #tpu.memory_space<vmem>>, vector<1x16xf32>,
        %get3A_841 = arith.index_cast %add3A_810 : i32 to index
        %get3A_842 = arith.constant 48 : index
        %get3A_843 = tpu.vector_load %arg7[%get3A_841, %get3A_842] {strides = array<i32>} : memref<256x128xf32, #tpu.memory_space<vmem>>, vector<1x16xf32>,
        %get3A_844 = vector.shape_cast %get3A_843 : vector<1x16xf32> to vector<16xf32>
        %add3A_845 = arith.addf %get3A_844, %get3A_161 : vector<16xf32>
        %swap3A_846 = arith.index_cast %add3A_810 : i32 to index
        %swap3A_847 = arith.constant 48 : index
        %swap3A_848 = tpu.vector_load %arg7[%swap3A_846, %swap3A_847] {strides = array<i32>} : memref<256x128xf32, #tpu.memory_space<vmem>>, vector<1x16xf32>,
        %swap3A_849 = vector.shape_cast %swap3A_848 : vector<1x16xf32> to vector<16xf32>
        %swap3A_850 = vector.shape_cast %add3A_845 : vector<16xf32> to vector<1x16xf32>
        tpu.vector_store %arg7[%swap3A_846, %swap3A_847], %swap3A_850 {strides = array<i32>} : memref<256x128xf32, #tpu.memory_space<vmem>>, vector<1x16xf32>,
        %mul3A_851 = arith.constant 16 : i32
        %mul3A_852 = arith.muli %scan3A_134, %mul3A_851 : i32
        %add3A_853 = arith.constant 0 : i32
        %add3A_854 = arith.addi %add3A_853, %mul3A_852 : i32
        %add3A_855 = arith.constant 15 : i32
        %add3A_856 = arith.addi %add3A_854, %add3A_855 : i32
        %get3A_857 = arith.index_cast %add3A_856 : i32 to index
        %get3A_858 = arith.constant 0 : index
        %get3A_859 = tpu.vector_load %arg7[%get3A_857, %get3A_858] {strides = array<i32>} : memref<256x128xf32, #tpu.memory_space<vmem>>, vector<1x16xf32>,
        %get3A_860 = vector.shape_cast %get3A_859 : vector<1x16xf32> to vector<16xf32>
        %add3A_861 = arith.addf %get3A_860, %get3A_140 : vector<16xf32>
        %swap3A_862 = arith.index_cast %add3A_856 : i32 to index
        %swap3A_863 = arith.constant 0 : index
        %swap3A_864 = tpu.vector_load %arg7[%swap3A_862, %swap3A_863] {strides = array<i32>} : memref<256x128xf32, #tpu.memory_space<vmem>>, vector<1x16xf32>,
        %swap3A_865 = vector.shape_cast %swap3A_864 : vector<1x16xf32> to vector<16xf32>
        %swap3A_866 = vector.shape_cast %add3A_861 : vector<16xf32> to vector<1x16xf32>
        tpu.vector_store %arg7[%swap3A_862, %swap3A_863], %swap3A_866 {strides = array<i32>} : memref<256x128xf32, #tpu.memory_space<vmem>>, vector<1x16xf32>,
        %get3A_867 = arith.index_cast %add3A_856 : i32 to index
        %get3A_868 = arith.constant 16 : index
        %get3A_869 = tpu.vector_load %arg7[%get3A_867, %get3A_868] {strides = array<i32>} : memref<256x128xf32, #tpu.memory_space<vmem>>, vector<1x16xf32>,
        %get3A_870 = vector.shape_cast %get3A_869 : vector<1x16xf32> to vector<16xf32>
        %add3A_871 = arith.addf %get3A_870, %get3A_147 : vector<16xf32>
        %swap3A_872 = arith.index_cast %add3A_856 : i32 to index
        %swap3A_873 = arith.constant 16 : index
        %swap3A_874 = tpu.vector_load %arg7[%swap3A_872, %swap3A_873] {strides = array<i32>} : memref<256x128xf32, #tpu.memory_space<vmem>>, vector<1x16xf32>,
        %swap3A_875 = vector.shape_cast %swap3A_874 : vector<1x16xf32> to vector<16xf32>
        %swap3A_876 = vector.shape_cast %add3A_871 : vector<16xf32> to vector<1x16xf32>
        tpu.vector_store %arg7[%swap3A_872, %swap3A_873], %swap3A_876 {strides = array<i32>} : memref<256x128xf32, #tpu.memory_space<vmem>>, vector<1x16xf32>,
        %get3A_877 = arith.index_cast %add3A_856 : i32 to index
        %get3A_878 = arith.constant 32 : index
        %get3A_879 = tpu.vector_load %arg7[%get3A_877, %get3A_878] {strides = array<i32>} : memref<256x128xf32, #tpu.memory_space<vmem>>, vector<1x16xf32>,
        %get3A_880 = vector.shape_cast %get3A_879 : vector<1x16xf32> to vector<16xf32>
        %add3A_881 = arith.addf %get3A_880, %get3A_154 : vector<16xf32>
        %swap3A_882 = arith.index_cast %add3A_856 : i32 to index
        %swap3A_883 = arith.constant 32 : index
        %swap3A_884 = tpu.vector_load %arg7[%swap3A_882, %swap3A_883] {strides = array<i32>} : memref<256x128xf32, #tpu.memory_space<vmem>>, vector<1x16xf32>,
        %swap3A_885 = vector.shape_cast %swap3A_884 : vector<1x16xf32> to vector<16xf32>
        %swap3A_886 = vector.shape_cast %add3A_881 : vector<16xf32> to vector<1x16xf32>
        tpu.vector_store %arg7[%swap3A_882, %swap3A_883], %swap3A_886 {strides = array<i32>} : memref<256x128xf32, #tpu.memory_space<vmem>>, vector<1x16xf32>,
        %get3A_887 = arith.index_cast %add3A_856 : i32 to index
        %get3A_888 = arith.constant 48 : index
        %get3A_889 = tpu.vector_load %arg7[%get3A_887, %get3A_888] {strides = array<i32>} : memref<256x128xf32, #tpu.memory_space<vmem>>, vector<1x16xf32>,
        %get3A_890 = vector.shape_cast %get3A_889 : vector<1x16xf32> to vector<16xf32>
        %add3A_891 = arith.addf %get3A_890, %get3A_161 : vector<16xf32>
        %swap3A_892 = arith.index_cast %add3A_856 : i32 to index
        %swap3A_893 = arith.constant 48 : index
        %swap3A_894 = tpu.vector_load %arg7[%swap3A_892, %swap3A_893] {strides = array<i32>} : memref<256x128xf32, #tpu.memory_space<vmem>>, vector<1x16xf32>,
        %swap3A_895 = vector.shape_cast %swap3A_894 : vector<1x16xf32> to vector<16xf32>
        %swap3A_896 = vector.shape_cast %add3A_891 : vector<16xf32> to vector<1x16xf32>
        tpu.vector_store %arg7[%swap3A_892, %swap3A_893], %swap3A_896 {strides = array<i32>} : memref<256x128xf32, #tpu.memory_space<vmem>>, vector<1x16xf32>,
      }
      %scan3A_74 = arith.constant 8 : i32
      %mul3A_75 = arith.constant 128 : i32
      %mul3A_76 = arith.muli %add3A_56, %mul3A_75 : i32
      %add3A_77 = arith.addi %mul3A_2, %mul3A_76 : i32
      %dma_start3A_78 = arith.constant 0 : i32
      %dma_start3A_79 = arith.constant 0 : i32
      %dma_start3A_80 = tpu.memref_slice %arg7[%dma_start3A_78, %dma_start3A_79] : memref<256x128xf32, #tpu.memory_space<vmem>> -> memref<128x64xf32, #tpu.memory_space<vmem>>
      %dma_start3A_81 = arith.constant 0 : i32
      %dma_start3A_82 = tpu.memref_slice %arg5[%add3A_77, %dma_start3A_81] : memref<32768x128xf32, #tpu.memory_space<hbm>> -> memref<128x64xf32, #tpu.memory_space<hbm>>
      %dma_start3A_83 = arith.constant 0 : i32
      %dma_start3A_84 = tpu.memref_slice %arg5[%add3A_77, %dma_start3A_83] : memref<32768x128xf32, #tpu.memory_space<hbm>> -> memref<128x64xf32, #tpu.memory_space<hbm>>
      %dma_start3A_85 = arith.constant 0 : i32
      %dma_start3A_86 = arith.constant 0 : i32
      %dma_start3A_87 = tpu.memref_slice %arg7[%dma_start3A_85, %dma_start3A_86] : memref<256x128xf32, #tpu.memory_space<vmem>> -> memref<128x64xf32, #tpu.memory_space<vmem>>
      tpu.enqueue_dma source(%dma_start3A_87 : memref<128x64xf32, #tpu.memory_space<vmem>>) target(%dma_start3A_84 : memref<128x64xf32, #tpu.memory_space<hbm>>) target_semaphore(%arg11 : memref<!tpu.dma_semaphore, #tpu.memory_space<semaphore_mem>>)
      %add3A_88 = arith.constant 2 : i32
      %add3A_89 = arith.addi %add3A_56, %add3A_88 : i32
      %lt3A = arith.constant 8 : i32
      %lt3A_90 = arith.cmpi slt, %add3A_89, %lt3A : i32
      %convert_element_type3A = arith.extui %lt3A_90 : i1 to i32
      %cond3A = arith.constant 0 : i32
      %cond3A_91 = arith.cmpi ne, %convert_element_type3A, %cond3A : i32
      scf.if %cond3A_91 {
        %mul3A_134 = arith.constant 128 : i32
        %mul3A_135 = arith.muli %add3A_56, %mul3A_134 : i32
        %add3A_136 = arith.addi %mul3A_2, %mul3A_135 : i32
        %dma_wait3A_137 = arith.constant 0 : i32
        %dma_wait3A_138 = arith.constant 0 : i32
        %dma_wait3A_139 = tpu.memref_slice %arg7[%dma_wait3A_137, %dma_wait3A_138] : memref<256x128xf32, #tpu.memory_space<vmem>> -> memref<128x64xf32, #tpu.memory_space<vmem>>
        %dma_wait3A_140 = arith.constant 0 : i32
        %dma_wait3A_141 = tpu.memref_slice %arg5[%add3A_136, %dma_wait3A_140] : memref<32768x128xf32, #tpu.memory_space<hbm>> -> memref<128x64xf32, #tpu.memory_space<hbm>>
        %dma_wait3A_142 = arith.constant 0 : i32
        %dma_wait3A_143 = tpu.memref_slice %arg5[%add3A_136, %dma_wait3A_142] : memref<32768x128xf32, #tpu.memory_space<hbm>> -> memref<128x64xf32, #tpu.memory_space<hbm>>
        %dma_wait3A_144 = arith.constant 0 : i32
        %dma_wait3A_145 = arith.constant 0 : i32
        %dma_wait3A_146 = tpu.memref_slice %arg7[%dma_wait3A_144, %dma_wait3A_145] : memref<256x128xf32, #tpu.memory_space<vmem>> -> memref<128x64xf32, #tpu.memory_space<vmem>>
        tpu.wait_dma2 semaphore(%arg11 : memref<!tpu.dma_semaphore, #tpu.memory_space<semaphore_mem>>) src(%dma_wait3A_146 : memref<128x64xf32, #tpu.memory_space<vmem>>) dst(%dma_wait3A_143 : memref<128x64xf32, #tpu.memory_space<hbm>>)
        %add3A_147 = arith.constant 2 : i32
        %add3A_148 = arith.addi %add3A_56, %add3A_147 : i32
        %dma_start3A_149 = arith.constant 0 : i32
        %dma_start3A_150 = arith.constant 0 : i32
        %dma_start3A_151 = tpu.memref_slice %arg7[%dma_start3A_149, %dma_start3A_150] : memref<256x128xf32, #tpu.memory_space<vmem>> -> memref<128x128xf32, #tpu.memory_space<vmem>>
        %dma_start3A_152 = arith.constant 0 : i32
        %dma_start3A_153 = tpu.memref_slice %arg6[%add3A_148, %dma_start3A_152] : memref<8x128xi32, #tpu.memory_space<vmem>> -> memref<1x128xi32, #tpu.memory_space<vmem>>
        %dma_start3A_154 = tpu.memref_squeeze %dma_start3A_153 : memref<1x128xi32, #tpu.memory_space<vmem>> -> memref<128xi32, #tpu.memory_space<vmem>>
        %dma_start3A_155 = arith.constant 0 : i32
        %dma_start3A_156 = arith.constant 0 : i32
        %dma_start3A_157 = tpu.memref_slice %arg3[%dma_start3A_155, %dma_start3A_156] : memref<100000x128xf32, #tpu.memory_space<hbm>> -> memref<100000x128xf32, #tpu.memory_space<hbm>>
        tpu.enqueue_indirect_dma source(%dma_start3A_157 : memref<100000x128xf32, #tpu.memory_space<hbm>>) target(%dma_start3A_151 : memref<128x128xf32, #tpu.memory_space<vmem>>) offsets(%dma_start3A_154 : memref<128xi32, #tpu.memory_space<vmem>>) semaphore(%arg9 : memref<!tpu.dma_semaphore, #tpu.memory_space<semaphore_mem>>)
      } else {
      }
      %mul3A_92 = arith.constant 2 : i32
      %mul3A_93 = arith.muli %scan3A_52, %mul3A_92 : i32
      %add3A_94 = arith.constant 1 : i32
      %add3A_95 = arith.addi %mul3A_93, %add3A_94 : i32
      %dma_wait3A_96 = arith.constant 128 : i32
      %dma_wait3A_97 = arith.constant 0 : i32
      %dma_wait3A_98 = tpu.memref_slice %arg7[%dma_wait3A_96, %dma_wait3A_97] : memref<256x128xf32, #tpu.memory_space<vmem>> -> memref<128x128xf32, #tpu.memory_space<vmem>>
      %dma_wait3A_99 = arith.constant 0 : i32
      %dma_wait3A_100 = arith.constant 0 : i32
      %dma_wait3A_101 = tpu.memref_slice %arg3[%dma_wait3A_99, %dma_wait3A_100] : memref<100000x128xf32, #tpu.memory_space<hbm>> -> memref<128x128xf32, #tpu.memory_space<hbm>>
      %dma_wait3A_102 = arith.constant 128 : i32
      %dma_wait3A_103 = arith.constant 0 : i32
      %dma_wait3A_104 = tpu.memref_slice %arg7[%dma_wait3A_102, %dma_wait3A_103] : memref<256x128xf32, #tpu.memory_space<vmem>> -> memref<128x128xf32, #tpu.memory_space<vmem>>
      %dma_wait3A_105 = arith.constant 0 : i32
      %dma_wait3A_106 = arith.constant 0 : i32
      %dma_wait3A_107 = tpu.memref_slice %arg3[%dma_wait3A_105, %dma_wait3A_106] : memref<100000x128xf32, #tpu.memory_space<hbm>> -> memref<128x128xf32, #tpu.memory_space<hbm>>
      tpu.wait_dma2 semaphore(%arg10 : memref<!tpu.dma_semaphore, #tpu.memory_space<semaphore_mem>>) src(%dma_wait3A_107 : memref<128x128xf32, #tpu.memory_space<hbm>>) dst(%dma_wait3A_104 : memref<128x128xf32, #tpu.memory_space<vmem>>)
      %scan3A_108 = arith.constant 0 : i32
      %scan3A_109 = arith.constant 0 : i32
      %scan3A_110 = arith.constant 8 : i32
      %scan3A_111 = arith.addi %scan3A_109, %scan3A_110 : i32
      %scan3A_112 = arith.constant 1 : i32
      scf.for %scan3A_134 = %scan3A_109 to %scan3A_111 step %scan3A_112  : i32 {
        %mul3A_135 = arith.constant 8 : i32
        %mul3A_136 = arith.muli %add3A_95, %mul3A_135 : i32
        %add3A_137 = arith.addi %mul3A_136, %scan3A_134 : i32
        %get3A = arith.index_cast %add3A_137 : i32 to index
        %get3A_138 = arith.constant 0 : index
        %get3A_139 = tpu.vector_load %arg8[%get3A, %get3A_138] {strides = array<i32>} : memref<64x64xf32, #tpu.memory_space<vmem>>, vector<1x16xf32>,
        %get3A_140 = vector.shape_cast %get3A_139 : vector<1x16xf32> to vector<16xf32>
        %mul3A_141 = arith.constant 8 : i32
        %mul3A_142 = arith.muli %add3A_95, %mul3A_141 : i32
        %add3A_143 = arith.addi %mul3A_142, %scan3A_134 : i32
        %get3A_144 = arith.index_cast %add3A_143 : i32 to index
        %get3A_145 = arith.constant 16 : index
        %get3A_146 = tpu.vector_load %arg8[%get3A_144, %get3A_145] {strides = array<i32>} : memref<64x64xf32, #tpu.memory_space<vmem>>, vector<1x16xf32>,
        %get3A_147 = vector.shape_cast %get3A_146 : vector<1x16xf32> to vector<16xf32>
        %mul3A_148 = arith.constant 8 : i32
        %mul3A_149 = arith.muli %add3A_95, %mul3A_148 : i32
        %add3A_150 = arith.addi %mul3A_149, %scan3A_134 : i32
        %get3A_151 = arith.index_cast %add3A_150 : i32 to index
        %get3A_152 = arith.constant 32 : index
        %get3A_153 = tpu.vector_load %arg8[%get3A_151, %get3A_152] {strides = array<i32>} : memref<64x64xf32, #tpu.memory_space<vmem>>, vector<1x16xf32>,
        %get3A_154 = vector.shape_cast %get3A_153 : vector<1x16xf32> to vector<16xf32>
        %mul3A_155 = arith.constant 8 : i32
        %mul3A_156 = arith.muli %add3A_95, %mul3A_155 : i32
        %add3A_157 = arith.addi %mul3A_156, %scan3A_134 : i32
        %get3A_158 = arith.index_cast %add3A_157 : i32 to index
        %get3A_159 = arith.constant 48 : index
        %get3A_160 = tpu.vector_load %arg8[%get3A_158, %get3A_159] {strides = array<i32>} : memref<64x64xf32, #tpu.memory_space<vmem>>, vector<1x16xf32>,
        %get3A_161 = vector.shape_cast %get3A_160 : vector<1x16xf32> to vector<16xf32>
        %mul3A_162 = arith.constant 16 : i32
        %mul3A_163 = arith.muli %scan3A_134, %mul3A_162 : i32
        %add3A_164 = arith.constant 128 : i32
        %add3A_165 = arith.addi %add3A_164, %mul3A_163 : i32
        %add3A_166 = arith.constant 0 : i32
        %add3A_167 = arith.addi %add3A_165, %add3A_166 : i32
        %get3A_168 = arith.index_cast %add3A_167 : i32 to index
        %get3A_169 = arith.constant 0 : index
        %get3A_170 = tpu.vector_load %arg7[%get3A_168, %get3A_169] {strides = array<i32>} : memref<256x128xf32, #tpu.memory_space<vmem>>, vector<1x16xf32>,
        %get3A_171 = vector.shape_cast %get3A_170 : vector<1x16xf32> to vector<16xf32>
        %add3A_172 = arith.addf %get3A_171, %get3A_140 : vector<16xf32>
        %swap3A = arith.index_cast %add3A_167 : i32 to index
        %swap3A_173 = arith.constant 0 : index
        %swap3A_174 = tpu.vector_load %arg7[%swap3A, %swap3A_173] {strides = array<i32>} : memref<256x128xf32, #tpu.memory_space<vmem>>, vector<1x16xf32>,
        %swap3A_175 = vector.shape_cast %swap3A_174 : vector<1x16xf32> to vector<16xf32>
        %swap3A_176 = vector.shape_cast %add3A_172 : vector<16xf32> to vector<1x16xf32>
        tpu.vector_store %arg7[%swap3A, %swap3A_173], %swap3A_176 {strides = array<i32>} : memref<256x128xf32, #tpu.memory_space<vmem>>, vector<1x16xf32>,
        %get3A_177 = arith.index_cast %add3A_167 : i32 to index
        %get3A_178 = arith.constant 16 : index
        %get3A_179 = tpu.vector_load %arg7[%get3A_177, %get3A_178] {strides = array<i32>} : memref<256x128xf32, #tpu.memory_space<vmem>>, vector<1x16xf32>,
        %get3A_180 = vector.shape_cast %get3A_179 : vector<1x16xf32> to vector<16xf32>
        %add3A_181 = arith.addf %get3A_180, %get3A_147 : vector<16xf32>
        %swap3A_182 = arith.index_cast %add3A_167 : i32 to index
        %swap3A_183 = arith.constant 16 : index
        %swap3A_184 = tpu.vector_load %arg7[%swap3A_182, %swap3A_183] {strides = array<i32>} : memref<256x128xf32, #tpu.memory_space<vmem>>, vector<1x16xf32>,
        %swap3A_185 = vector.shape_cast %swap3A_184 : vector<1x16xf32> to vector<16xf32>
        %swap3A_186 = vector.shape_cast %add3A_181 : vector<16xf32> to vector<1x16xf32>
        tpu.vector_store %arg7[%swap3A_182, %swap3A_183], %swap3A_186 {strides = array<i32>} : memref<256x128xf32, #tpu.memory_space<vmem>>, vector<1x16xf32>,
        %get3A_187 = arith.index_cast %add3A_167 : i32 to index
        %get3A_188 = arith.constant 32 : index
        %get3A_189 = tpu.vector_load %arg7[%get3A_187, %get3A_188] {strides = array<i32>} : memref<256x128xf32, #tpu.memory_space<vmem>>, vector<1x16xf32>,
        %get3A_190 = vector.shape_cast %get3A_189 : vector<1x16xf32> to vector<16xf32>
        %add3A_191 = arith.addf %get3A_190, %get3A_154 : vector<16xf32>
        %swap3A_192 = arith.index_cast %add3A_167 : i32 to index
        %swap3A_193 = arith.constant 32 : index
        %swap3A_194 = tpu.vector_load %arg7[%swap3A_192, %swap3A_193] {strides = array<i32>} : memref<256x128xf32, #tpu.memory_space<vmem>>, vector<1x16xf32>,
        %swap3A_195 = vector.shape_cast %swap3A_194 : vector<1x16xf32> to vector<16xf32>
        %swap3A_196 = vector.shape_cast %add3A_191 : vector<16xf32> to vector<1x16xf32>
        tpu.vector_store %arg7[%swap3A_192, %swap3A_193], %swap3A_196 {strides = array<i32>} : memref<256x128xf32, #tpu.memory_space<vmem>>, vector<1x16xf32>,
        %get3A_197 = arith.index_cast %add3A_167 : i32 to index
        %get3A_198 = arith.constant 48 : index
        %get3A_199 = tpu.vector_load %arg7[%get3A_197, %get3A_198] {strides = array<i32>} : memref<256x128xf32, #tpu.memory_space<vmem>>, vector<1x16xf32>,
        %get3A_200 = vector.shape_cast %get3A_199 : vector<1x16xf32> to vector<16xf32>
        %add3A_201 = arith.addf %get3A_200, %get3A_161 : vector<16xf32>
        %swap3A_202 = arith.index_cast %add3A_167 : i32 to index
        %swap3A_203 = arith.constant 48 : index
        %swap3A_204 = tpu.vector_load %arg7[%swap3A_202, %swap3A_203] {strides = array<i32>} : memref<256x128xf32, #tpu.memory_space<vmem>>, vector<1x16xf32>,
        %swap3A_205 = vector.shape_cast %swap3A_204 : vector<1x16xf32> to vector<16xf32>
        %swap3A_206 = vector.shape_cast %add3A_201 : vector<16xf32> to vector<1x16xf32>
        tpu.vector_store %arg7[%swap3A_202, %swap3A_203], %swap3A_206 {strides = array<i32>} : memref<256x128xf32, #tpu.memory_space<vmem>>, vector<1x16xf32>,
        %mul3A_207 = arith.constant 16 : i32
        %mul3A_208 = arith.muli %scan3A_134, %mul3A_207 : i32
        %add3A_209 = arith.constant 128 : i32
        %add3A_210 = arith.addi %add3A_209, %mul3A_208 : i32
        %add3A_211 = arith.constant 1 : i32
        %add3A_212 = arith.addi %add3A_210, %add3A_211 : i32
        %get3A_213 = arith.index_cast %add3A_212 : i32 to index
        %get3A_214 = arith.constant 0 : index
        %get3A_215 = tpu.vector_load %arg7[%get3A_213, %get3A_214] {strides = array<i32>} : memref<256x128xf32, #tpu.memory_space<vmem>>, vector<1x16xf32>,
        %get3A_216 = vector.shape_cast %get3A_215 : vector<1x16xf32> to vector<16xf32>
        %add3A_217 = arith.addf %get3A_216, %get3A_140 : vector<16xf32>
        %swap3A_218 = arith.index_cast %add3A_212 : i32 to index
        %swap3A_219 = arith.constant 0 : index
        %swap3A_220 = tpu.vector_load %arg7[%swap3A_218, %swap3A_219] {strides = array<i32>} : memref<256x128xf32, #tpu.memory_space<vmem>>, vector<1x16xf32>,
        %swap3A_221 = vector.shape_cast %swap3A_220 : vector<1x16xf32> to vector<16xf32>
        %swap3A_222 = vector.shape_cast %add3A_217 : vector<16xf32> to vector<1x16xf32>
        tpu.vector_store %arg7[%swap3A_218, %swap3A_219], %swap3A_222 {strides = array<i32>} : memref<256x128xf32, #tpu.memory_space<vmem>>, vector<1x16xf32>,
        %get3A_223 = arith.index_cast %add3A_212 : i32 to index
        %get3A_224 = arith.constant 16 : index
        %get3A_225 = tpu.vector_load %arg7[%get3A_223, %get3A_224] {strides = array<i32>} : memref<256x128xf32, #tpu.memory_space<vmem>>, vector<1x16xf32>,
        %get3A_226 = vector.shape_cast %get3A_225 : vector<1x16xf32> to vector<16xf32>
        %add3A_227 = arith.addf %get3A_226, %get3A_147 : vector<16xf32>
        %swap3A_228 = arith.index_cast %add3A_212 : i32 to index
        %swap3A_229 = arith.constant 16 : index
        %swap3A_230 = tpu.vector_load %arg7[%swap3A_228, %swap3A_229] {strides = array<i32>} : memref<256x128xf32, #tpu.memory_space<vmem>>, vector<1x16xf32>,
        %swap3A_231 = vector.shape_cast %swap3A_230 : vector<1x16xf32> to vector<16xf32>
        %swap3A_232 = vector.shape_cast %add3A_227 : vector<16xf32> to vector<1x16xf32>
        tpu.vector_store %arg7[%swap3A_228, %swap3A_229], %swap3A_232 {strides = array<i32>} : memref<256x128xf32, #tpu.memory_space<vmem>>, vector<1x16xf32>,
        %get3A_233 = arith.index_cast %add3A_212 : i32 to index
        %get3A_234 = arith.constant 32 : index
        %get3A_235 = tpu.vector_load %arg7[%get3A_233, %get3A_234] {strides = array<i32>} : memref<256x128xf32, #tpu.memory_space<vmem>>, vector<1x16xf32>,
        %get3A_236 = vector.shape_cast %get3A_235 : vector<1x16xf32> to vector<16xf32>
        %add3A_237 = arith.addf %get3A_236, %get3A_154 : vector<16xf32>
        %swap3A_238 = arith.index_cast %add3A_212 : i32 to index
        %swap3A_239 = arith.constant 32 : index
        %swap3A_240 = tpu.vector_load %arg7[%swap3A_238, %swap3A_239] {strides = array<i32>} : memref<256x128xf32, #tpu.memory_space<vmem>>, vector<1x16xf32>,
        %swap3A_241 = vector.shape_cast %swap3A_240 : vector<1x16xf32> to vector<16xf32>
        %swap3A_242 = vector.shape_cast %add3A_237 : vector<16xf32> to vector<1x16xf32>
        tpu.vector_store %arg7[%swap3A_238, %swap3A_239], %swap3A_242 {strides = array<i32>} : memref<256x128xf32, #tpu.memory_space<vmem>>, vector<1x16xf32>,
        %get3A_243 = arith.index_cast %add3A_212 : i32 to index
        %get3A_244 = arith.constant 48 : index
        %get3A_245 = tpu.vector_load %arg7[%get3A_243, %get3A_244] {strides = array<i32>} : memref<256x128xf32, #tpu.memory_space<vmem>>, vector<1x16xf32>,
        %get3A_246 = vector.shape_cast %get3A_245 : vector<1x16xf32> to vector<16xf32>
        %add3A_247 = arith.addf %get3A_246, %get3A_161 : vector<16xf32>
        %swap3A_248 = arith.index_cast %add3A_212 : i32 to index
        %swap3A_249 = arith.constant 48 : index
        %swap3A_250 = tpu.vector_load %arg7[%swap3A_248, %swap3A_249] {strides = array<i32>} : memref<256x128xf32, #tpu.memory_space<vmem>>, vector<1x16xf32>,
        %swap3A_251 = vector.shape_cast %swap3A_250 : vector<1x16xf32> to vector<16xf32>
        %swap3A_252 = vector.shape_cast %add3A_247 : vector<16xf32> to vector<1x16xf32>
        tpu.vector_store %arg7[%swap3A_248, %swap3A_249], %swap3A_252 {strides = array<i32>} : memref<256x128xf32, #tpu.memory_space<vmem>>, vector<1x16xf32>,
        %mul3A_253 = arith.constant 16 : i32
        %mul3A_254 = arith.muli %scan3A_134, %mul3A_253 : i32
        %add3A_255 = arith.constant 128 : i32
        %add3A_256 = arith.addi %add3A_255, %mul3A_254 : i32
        %add3A_257 = arith.constant 2 : i32
        %add3A_258 = arith.addi %add3A_256, %add3A_257 : i32
        %get3A_259 = arith.index_cast %add3A_258 : i32 to index
        %get3A_260 = arith.constant 0 : index
        %get3A_261 = tpu.vector_load %arg7[%get3A_259, %get3A_260] {strides = array<i32>} : memref<256x128xf32, #tpu.memory_space<vmem>>, vector<1x16xf32>,
        %get3A_262 = vector.shape_cast %get3A_261 : vector<1x16xf32> to vector<16xf32>
        %add3A_263 = arith.addf %get3A_262, %get3A_140 : vector<16xf32>
        %swap3A_264 = arith.index_cast %add3A_258 : i32 to index
        %swap3A_265 = arith.constant 0 : index
        %swap3A_266 = tpu.vector_load %arg7[%swap3A_264, %swap3A_265] {strides = array<i32>} : memref<256x128xf32, #tpu.memory_space<vmem>>, vector<1x16xf32>,
        %swap3A_267 = vector.shape_cast %swap3A_266 : vector<1x16xf32> to vector<16xf32>
        %swap3A_268 = vector.shape_cast %add3A_263 : vector<16xf32> to vector<1x16xf32>
        tpu.vector_store %arg7[%swap3A_264, %swap3A_265], %swap3A_268 {strides = array<i32>} : memref<256x128xf32, #tpu.memory_space<vmem>>, vector<1x16xf32>,
        %get3A_269 = arith.index_cast %add3A_258 : i32 to index
        %get3A_270 = arith.constant 16 : index
        %get3A_271 = tpu.vector_load %arg7[%get3A_269, %get3A_270] {strides = array<i32>} : memref<256x128xf32, #tpu.memory_space<vmem>>, vector<1x16xf32>,
        %get3A_272 = vector.shape_cast %get3A_271 : vector<1x16xf32> to vector<16xf32>
        %add3A_273 = arith.addf %get3A_272, %get3A_147 : vector<16xf32>
        %swap3A_274 = arith.index_cast %add3A_258 : i32 to index
        %swap3A_275 = arith.constant 16 : index
        %swap3A_276 = tpu.vector_load %arg7[%swap3A_274, %swap3A_275] {strides = array<i32>} : memref<256x128xf32, #tpu.memory_space<vmem>>, vector<1x16xf32>,
        %swap3A_277 = vector.shape_cast %swap3A_276 : vector<1x16xf32> to vector<16xf32>
        %swap3A_278 = vector.shape_cast %add3A_273 : vector<16xf32> to vector<1x16xf32>
        tpu.vector_store %arg7[%swap3A_274, %swap3A_275], %swap3A_278 {strides = array<i32>} : memref<256x128xf32, #tpu.memory_space<vmem>>, vector<1x16xf32>,
        %get3A_279 = arith.index_cast %add3A_258 : i32 to index
        %get3A_280 = arith.constant 32 : index
        %get3A_281 = tpu.vector_load %arg7[%get3A_279, %get3A_280] {strides = array<i32>} : memref<256x128xf32, #tpu.memory_space<vmem>>, vector<1x16xf32>,
        %get3A_282 = vector.shape_cast %get3A_281 : vector<1x16xf32> to vector<16xf32>
        %add3A_283 = arith.addf %get3A_282, %get3A_154 : vector<16xf32>
        %swap3A_284 = arith.index_cast %add3A_258 : i32 to index
        %swap3A_285 = arith.constant 32 : index
        %swap3A_286 = tpu.vector_load %arg7[%swap3A_284, %swap3A_285] {strides = array<i32>} : memref<256x128xf32, #tpu.memory_space<vmem>>, vector<1x16xf32>,
        %swap3A_287 = vector.shape_cast %swap3A_286 : vector<1x16xf32> to vector<16xf32>
        %swap3A_288 = vector.shape_cast %add3A_283 : vector<16xf32> to vector<1x16xf32>
        tpu.vector_store %arg7[%swap3A_284, %swap3A_285], %swap3A_288 {strides = array<i32>} : memref<256x128xf32, #tpu.memory_space<vmem>>, vector<1x16xf32>,
        %get3A_289 = arith.index_cast %add3A_258 : i32 to index
        %get3A_290 = arith.constant 48 : index
        %get3A_291 = tpu.vector_load %arg7[%get3A_289, %get3A_290] {strides = array<i32>} : memref<256x128xf32, #tpu.memory_space<vmem>>, vector<1x16xf32>,
        %get3A_292 = vector.shape_cast %get3A_291 : vector<1x16xf32> to vector<16xf32>
        %add3A_293 = arith.addf %get3A_292, %get3A_161 : vector<16xf32>
        %swap3A_294 = arith.index_cast %add3A_258 : i32 to index
        %swap3A_295 = arith.constant 48 : index
        %swap3A_296 = tpu.vector_load %arg7[%swap3A_294, %swap3A_295] {strides = array<i32>} : memref<256x128xf32, #tpu.memory_space<vmem>>, vector<1x16xf32>,
        %swap3A_297 = vector.shape_cast %swap3A_296 : vector<1x16xf32> to vector<16xf32>
        %swap3A_298 = vector.shape_cast %add3A_293 : vector<16xf32> to vector<1x16xf32>
        tpu.vector_store %arg7[%swap3A_294, %swap3A_295], %swap3A_298 {strides = array<i32>} : memref<256x128xf32, #tpu.memory_space<vmem>>, vector<1x16xf32>,
        %mul3A_299 = arith.constant 16 : i32
        %mul3A_300 = arith.muli %scan3A_134, %mul3A_299 : i32
        %add3A_301 = arith.constant 128 : i32
        %add3A_302 = arith.addi %add3A_301, %mul3A_300 : i32
        %add3A_303 = arith.constant 3 : i32
        %add3A_304 = arith.addi %add3A_302, %add3A_303 : i32
        %get3A_305 = arith.index_cast %add3A_304 : i32 to index
        %get3A_306 = arith.constant 0 : index
        %get3A_307 = tpu.vector_load %arg7[%get3A_305, %get3A_306] {strides = array<i32>} : memref<256x128xf32, #tpu.memory_space<vmem>>, vector<1x16xf32>,
        %get3A_308 = vector.shape_cast %get3A_307 : vector<1x16xf32> to vector<16xf32>
        %add3A_309 = arith.addf %get3A_308, %get3A_140 : vector<16xf32>
        %swap3A_310 = arith.index_cast %add3A_304 : i32 to index
        %swap3A_311 = arith.constant 0 : index
        %swap3A_312 = tpu.vector_load %arg7[%swap3A_310, %swap3A_311] {strides = array<i32>} : memref<256x128xf32, #tpu.memory_space<vmem>>, vector<1x16xf32>,
        %swap3A_313 = vector.shape_cast %swap3A_312 : vector<1x16xf32> to vector<16xf32>
        %swap3A_314 = vector.shape_cast %add3A_309 : vector<16xf32> to vector<1x16xf32>
        tpu.vector_store %arg7[%swap3A_310, %swap3A_311], %swap3A_314 {strides = array<i32>} : memref<256x128xf32, #tpu.memory_space<vmem>>, vector<1x16xf32>,
        %get3A_315 = arith.index_cast %add3A_304 : i32 to index
        %get3A_316 = arith.constant 16 : index
        %get3A_317 = tpu.vector_load %arg7[%get3A_315, %get3A_316] {strides = array<i32>} : memref<256x128xf32, #tpu.memory_space<vmem>>, vector<1x16xf32>,
        %get3A_318 = vector.shape_cast %get3A_317 : vector<1x16xf32> to vector<16xf32>
        %add3A_319 = arith.addf %get3A_318, %get3A_147 : vector<16xf32>
        %swap3A_320 = arith.index_cast %add3A_304 : i32 to index
        %swap3A_321 = arith.constant 16 : index
        %swap3A_322 = tpu.vector_load %arg7[%swap3A_320, %swap3A_321] {strides = array<i32>} : memref<256x128xf32, #tpu.memory_space<vmem>>, vector<1x16xf32>,
        %swap3A_323 = vector.shape_cast %swap3A_322 : vector<1x16xf32> to vector<16xf32>
        %swap3A_324 = vector.shape_cast %add3A_319 : vector<16xf32> to vector<1x16xf32>
        tpu.vector_store %arg7[%swap3A_320, %swap3A_321], %swap3A_324 {strides = array<i32>} : memref<256x128xf32, #tpu.memory_space<vmem>>, vector<1x16xf32>,
        %get3A_325 = arith.index_cast %add3A_304 : i32 to index
        %get3A_326 = arith.constant 32 : index
        %get3A_327 = tpu.vector_load %arg7[%get3A_325, %get3A_326] {strides = array<i32>} : memref<256x128xf32, #tpu.memory_space<vmem>>, vector<1x16xf32>,
        %get3A_328 = vector.shape_cast %get3A_327 : vector<1x16xf32> to vector<16xf32>
        %add3A_329 = arith.addf %get3A_328, %get3A_154 : vector<16xf32>
        %swap3A_330 = arith.index_cast %add3A_304 : i32 to index
        %swap3A_331 = arith.constant 32 : index
        %swap3A_332 = tpu.vector_load %arg7[%swap3A_330, %swap3A_331] {strides = array<i32>} : memref<256x128xf32, #tpu.memory_space<vmem>>, vector<1x16xf32>,
        %swap3A_333 = vector.shape_cast %swap3A_332 : vector<1x16xf32> to vector<16xf32>
        %swap3A_334 = vector.shape_cast %add3A_329 : vector<16xf32> to vector<1x16xf32>
        tpu.vector_store %arg7[%swap3A_330, %swap3A_331], %swap3A_334 {strides = array<i32>} : memref<256x128xf32, #tpu.memory_space<vmem>>, vector<1x16xf32>,
        %get3A_335 = arith.index_cast %add3A_304 : i32 to index
        %get3A_336 = arith.constant 48 : index
        %get3A_337 = tpu.vector_load %arg7[%get3A_335, %get3A_336] {strides = array<i32>} : memref<256x128xf32, #tpu.memory_space<vmem>>, vector<1x16xf32>,
        %get3A_338 = vector.shape_cast %get3A_337 : vector<1x16xf32> to vector<16xf32>
        %add3A_339 = arith.addf %get3A_338, %get3A_161 : vector<16xf32>
        %swap3A_340 = arith.index_cast %add3A_304 : i32 to index
        %swap3A_341 = arith.constant 48 : index
        %swap3A_342 = tpu.vector_load %arg7[%swap3A_340, %swap3A_341] {strides = array<i32>} : memref<256x128xf32, #tpu.memory_space<vmem>>, vector<1x16xf32>,
        %swap3A_343 = vector.shape_cast %swap3A_342 : vector<1x16xf32> to vector<16xf32>
        %swap3A_344 = vector.shape_cast %add3A_339 : vector<16xf32> to vector<1x16xf32>
        tpu.vector_store %arg7[%swap3A_340, %swap3A_341], %swap3A_344 {strides = array<i32>} : memref<256x128xf32, #tpu.memory_space<vmem>>, vector<1x16xf32>,
        %mul3A_345 = arith.constant 16 : i32
        %mul3A_346 = arith.muli %scan3A_134, %mul3A_345 : i32
        %add3A_347 = arith.constant 128 : i32
        %add3A_348 = arith.addi %add3A_347, %mul3A_346 : i32
        %add3A_349 = arith.constant 4 : i32
        %add3A_350 = arith.addi %add3A_348, %add3A_349 : i32
        %get3A_351 = arith.index_cast %add3A_350 : i32 to index
        %get3A_352 = arith.constant 0 : index
        %get3A_353 = tpu.vector_load %arg7[%get3A_351, %get3A_352] {strides = array<i32>} : memref<256x128xf32, #tpu.memory_space<vmem>>, vector<1x16xf32>,
        %get3A_354 = vector.shape_cast %get3A_353 : vector<1x16xf32> to vector<16xf32>
        %add3A_355 = arith.addf %get3A_354, %get3A_140 : vector<16xf32>
        %swap3A_356 = arith.index_cast %add3A_350 : i32 to index
        %swap3A_357 = arith.constant 0 : index
        %swap3A_358 = tpu.vector_load %arg7[%swap3A_356, %swap3A_357] {strides = array<i32>} : memref<256x128xf32, #tpu.memory_space<vmem>>, vector<1x16xf32>,
        %swap3A_359 = vector.shape_cast %swap3A_358 : vector<1x16xf32> to vector<16xf32>
        %swap3A_360 = vector.shape_cast %add3A_355 : vector<16xf32> to vector<1x16xf32>
        tpu.vector_store %arg7[%swap3A_356, %swap3A_357], %swap3A_360 {strides = array<i32>} : memref<256x128xf32, #tpu.memory_space<vmem>>, vector<1x16xf32>,
        %get3A_361 = arith.index_cast %add3A_350 : i32 to index
        %get3A_362 = arith.constant 16 : index
        %get3A_363 = tpu.vector_load %arg7[%get3A_361, %get3A_362] {strides = array<i32>} : memref<256x128xf32, #tpu.memory_space<vmem>>, vector<1x16xf32>,
        %get3A_364 = vector.shape_cast %get3A_363 : vector<1x16xf32> to vector<16xf32>
        %add3A_365 = arith.addf %get3A_364, %get3A_147 : vector<16xf32>
        %swap3A_366 = arith.index_cast %add3A_350 : i32 to index
        %swap3A_367 = arith.constant 16 : index
        %swap3A_368 = tpu.vector_load %arg7[%swap3A_366, %swap3A_367] {strides = array<i32>} : memref<256x128xf32, #tpu.memory_space<vmem>>, vector<1x16xf32>,
        %swap3A_369 = vector.shape_cast %swap3A_368 : vector<1x16xf32> to vector<16xf32>
        %swap3A_370 = vector.shape_cast %add3A_365 : vector<16xf32> to vector<1x16xf32>
        tpu.vector_store %arg7[%swap3A_366, %swap3A_367], %swap3A_370 {strides = array<i32>} : memref<256x128xf32, #tpu.memory_space<vmem>>, vector<1x16xf32>,
        %get3A_371 = arith.index_cast %add3A_350 : i32 to index
        %get3A_372 = arith.constant 32 : index
        %get3A_373 = tpu.vector_load %arg7[%get3A_371, %get3A_372] {strides = array<i32>} : memref<256x128xf32, #tpu.memory_space<vmem>>, vector<1x16xf32>,
        %get3A_374 = vector.shape_cast %get3A_373 : vector<1x16xf32> to vector<16xf32>
        %add3A_375 = arith.addf %get3A_374, %get3A_154 : vector<16xf32>
        %swap3A_376 = arith.index_cast %add3A_350 : i32 to index
        %swap3A_377 = arith.constant 32 : index
        %swap3A_378 = tpu.vector_load %arg7[%swap3A_376, %swap3A_377] {strides = array<i32>} : memref<256x128xf32, #tpu.memory_space<vmem>>, vector<1x16xf32>,
        %swap3A_379 = vector.shape_cast %swap3A_378 : vector<1x16xf32> to vector<16xf32>
        %swap3A_380 = vector.shape_cast %add3A_375 : vector<16xf32> to vector<1x16xf32>
        tpu.vector_store %arg7[%swap3A_376, %swap3A_377], %swap3A_380 {strides = array<i32>} : memref<256x128xf32, #tpu.memory_space<vmem>>, vector<1x16xf32>,
        %get3A_381 = arith.index_cast %add3A_350 : i32 to index
        %get3A_382 = arith.constant 48 : index
        %get3A_383 = tpu.vector_load %arg7[%get3A_381, %get3A_382] {strides = array<i32>} : memref<256x128xf32, #tpu.memory_space<vmem>>, vector<1x16xf32>,
        %get3A_384 = vector.shape_cast %get3A_383 : vector<1x16xf32> to vector<16xf32>
        %add3A_385 = arith.addf %get3A_384, %get3A_161 : vector<16xf32>
        %swap3A_386 = arith.index_cast %add3A_350 : i32 to index
        %swap3A_387 = arith.constant 48 : index
        %swap3A_388 = tpu.vector_load %arg7[%swap3A_386, %swap3A_387] {strides = array<i32>} : memref<256x128xf32, #tpu.memory_space<vmem>>, vector<1x16xf32>,
        %swap3A_389 = vector.shape_cast %swap3A_388 : vector<1x16xf32> to vector<16xf32>
        %swap3A_390 = vector.shape_cast %add3A_385 : vector<16xf32> to vector<1x16xf32>
        tpu.vector_store %arg7[%swap3A_386, %swap3A_387], %swap3A_390 {strides = array<i32>} : memref<256x128xf32, #tpu.memory_space<vmem>>, vector<1x16xf32>,
        %mul3A_391 = arith.constant 16 : i32
        %mul3A_392 = arith.muli %scan3A_134, %mul3A_391 : i32
        %add3A_393 = arith.constant 128 : i32
        %add3A_394 = arith.addi %add3A_393, %mul3A_392 : i32
        %add3A_395 = arith.constant 5 : i32
        %add3A_396 = arith.addi %add3A_394, %add3A_395 : i32
        %get3A_397 = arith.index_cast %add3A_396 : i32 to index
        %get3A_398 = arith.constant 0 : index
        %get3A_399 = tpu.vector_load %arg7[%get3A_397, %get3A_398] {strides = array<i32>} : memref<256x128xf32, #tpu.memory_space<vmem>>, vector<1x16xf32>,
        %get3A_400 = vector.shape_cast %get3A_399 : vector<1x16xf32> to vector<16xf32>
        %add3A_401 = arith.addf %get3A_400, %get3A_140 : vector<16xf32>
        %swap3A_402 = arith.index_cast %add3A_396 : i32 to index
        %swap3A_403 = arith.constant 0 : index
        %swap3A_404 = tpu.vector_load %arg7[%swap3A_402, %swap3A_403] {strides = array<i32>} : memref<256x128xf32, #tpu.memory_space<vmem>>, vector<1x16xf32>,
        %swap3A_405 = vector.shape_cast %swap3A_404 : vector<1x16xf32> to vector<16xf32>
        %swap3A_406 = vector.shape_cast %add3A_401 : vector<16xf32> to vector<1x16xf32>
        tpu.vector_store %arg7[%swap3A_402, %swap3A_403], %swap3A_406 {strides = array<i32>} : memref<256x128xf32, #tpu.memory_space<vmem>>, vector<1x16xf32>,
        %get3A_407 = arith.index_cast %add3A_396 : i32 to index
        %get3A_408 = arith.constant 16 : index
        %get3A_409 = tpu.vector_load %arg7[%get3A_407, %get3A_408] {strides = array<i32>} : memref<256x128xf32, #tpu.memory_space<vmem>>, vector<1x16xf32>,
        %get3A_410 = vector.shape_cast %get3A_409 : vector<1x16xf32> to vector<16xf32>
        %add3A_411 = arith.addf %get3A_410, %get3A_147 : vector<16xf32>
        %swap3A_412 = arith.index_cast %add3A_396 : i32 to index
        %swap3A_413 = arith.constant 16 : index
        %swap3A_414 = tpu.vector_load %arg7[%swap3A_412, %swap3A_413] {strides = array<i32>} : memref<256x128xf32, #tpu.memory_space<vmem>>, vector<1x16xf32>,
        %swap3A_415 = vector.shape_cast %swap3A_414 : vector<1x16xf32> to vector<16xf32>
        %swap3A_416 = vector.shape_cast %add3A_411 : vector<16xf32> to vector<1x16xf32>
        tpu.vector_store %arg7[%swap3A_412, %swap3A_413], %swap3A_416 {strides = array<i32>} : memref<256x128xf32, #tpu.memory_space<vmem>>, vector<1x16xf32>,
        %get3A_417 = arith.index_cast %add3A_396 : i32 to index
        %get3A_418 = arith.constant 32 : index
        %get3A_419 = tpu.vector_load %arg7[%get3A_417, %get3A_418] {strides = array<i32>} : memref<256x128xf32, #tpu.memory_space<vmem>>, vector<1x16xf32>,
        %get3A_420 = vector.shape_cast %get3A_419 : vector<1x16xf32> to vector<16xf32>
        %add3A_421 = arith.addf %get3A_420, %get3A_154 : vector<16xf32>
        %swap3A_422 = arith.index_cast %add3A_396 : i32 to index
        %swap3A_423 = arith.constant 32 : index
        %swap3A_424 = tpu.vector_load %arg7[%swap3A_422, %swap3A_423] {strides = array<i32>} : memref<256x128xf32, #tpu.memory_space<vmem>>, vector<1x16xf32>,
        %swap3A_425 = vector.shape_cast %swap3A_424 : vector<1x16xf32> to vector<16xf32>
        %swap3A_426 = vector.shape_cast %add3A_421 : vector<16xf32> to vector<1x16xf32>
        tpu.vector_store %arg7[%swap3A_422, %swap3A_423], %swap3A_426 {strides = array<i32>} : memref<256x128xf32, #tpu.memory_space<vmem>>, vector<1x16xf32>,
        %get3A_427 = arith.index_cast %add3A_396 : i32 to index
        %get3A_428 = arith.constant 48 : index
        %get3A_429 = tpu.vector_load %arg7[%get3A_427, %get3A_428] {strides = array<i32>} : memref<256x128xf32, #tpu.memory_space<vmem>>, vector<1x16xf32>,
        %get3A_430 = vector.shape_cast %get3A_429 : vector<1x16xf32> to vector<16xf32>
        %add3A_431 = arith.addf %get3A_430, %get3A_161 : vector<16xf32>
        %swap3A_432 = arith.index_cast %add3A_396 : i32 to index
        %swap3A_433 = arith.constant 48 : index
        %swap3A_434 = tpu.vector_load %arg7[%swap3A_432, %swap3A_433] {strides = array<i32>} : memref<256x128xf32, #tpu.memory_space<vmem>>, vector<1x16xf32>,
        %swap3A_435 = vector.shape_cast %swap3A_434 : vector<1x16xf32> to vector<16xf32>
        %swap3A_436 = vector.shape_cast %add3A_431 : vector<16xf32> to vector<1x16xf32>
        tpu.vector_store %arg7[%swap3A_432, %swap3A_433], %swap3A_436 {strides = array<i32>} : memref<256x128xf32, #tpu.memory_space<vmem>>, vector<1x16xf32>,
        %mul3A_437 = arith.constant 16 : i32
        %mul3A_438 = arith.muli %scan3A_134, %mul3A_437 : i32
        %add3A_439 = arith.constant 128 : i32
        %add3A_440 = arith.addi %add3A_439, %mul3A_438 : i32
        %add3A_441 = arith.constant 6 : i32
        %add3A_442 = arith.addi %add3A_440, %add3A_441 : i32
        %get3A_443 = arith.index_cast %add3A_442 : i32 to index
        %get3A_444 = arith.constant 0 : index
        %get3A_445 = tpu.vector_load %arg7[%get3A_443, %get3A_444] {strides = array<i32>} : memref<256x128xf32, #tpu.memory_space<vmem>>, vector<1x16xf32>,
        %get3A_446 = vector.shape_cast %get3A_445 : vector<1x16xf32> to vector<16xf32>
        %add3A_447 = arith.addf %get3A_446, %get3A_140 : vector<16xf32>
        %swap3A_448 = arith.index_cast %add3A_442 : i32 to index
        %swap3A_449 = arith.constant 0 : index
        %swap3A_450 = tpu.vector_load %arg7[%swap3A_448, %swap3A_449] {strides = array<i32>} : memref<256x128xf32, #tpu.memory_space<vmem>>, vector<1x16xf32>,
        %swap3A_451 = vector.shape_cast %swap3A_450 : vector<1x16xf32> to vector<16xf32>
        %swap3A_452 = vector.shape_cast %add3A_447 : vector<16xf32> to vector<1x16xf32>
        tpu.vector_store %arg7[%swap3A_448, %swap3A_449], %swap3A_452 {strides = array<i32>} : memref<256x128xf32, #tpu.memory_space<vmem>>, vector<1x16xf32>,
        %get3A_453 = arith.index_cast %add3A_442 : i32 to index
        %get3A_454 = arith.constant 16 : index
        %get3A_455 = tpu.vector_load %arg7[%get3A_453, %get3A_454] {strides = array<i32>} : memref<256x128xf32, #tpu.memory_space<vmem>>, vector<1x16xf32>,
        %get3A_456 = vector.shape_cast %get3A_455 : vector<1x16xf32> to vector<16xf32>
        %add3A_457 = arith.addf %get3A_456, %get3A_147 : vector<16xf32>
        %swap3A_458 = arith.index_cast %add3A_442 : i32 to index
        %swap3A_459 = arith.constant 16 : index
        %swap3A_460 = tpu.vector_load %arg7[%swap3A_458, %swap3A_459] {strides = array<i32>} : memref<256x128xf32, #tpu.memory_space<vmem>>, vector<1x16xf32>,
        %swap3A_461 = vector.shape_cast %swap3A_460 : vector<1x16xf32> to vector<16xf32>
        %swap3A_462 = vector.shape_cast %add3A_457 : vector<16xf32> to vector<1x16xf32>
        tpu.vector_store %arg7[%swap3A_458, %swap3A_459], %swap3A_462 {strides = array<i32>} : memref<256x128xf32, #tpu.memory_space<vmem>>, vector<1x16xf32>,
        %get3A_463 = arith.index_cast %add3A_442 : i32 to index
        %get3A_464 = arith.constant 32 : index
        %get3A_465 = tpu.vector_load %arg7[%get3A_463, %get3A_464] {strides = array<i32>} : memref<256x128xf32, #tpu.memory_space<vmem>>, vector<1x16xf32>,
        %get3A_466 = vector.shape_cast %get3A_465 : vector<1x16xf32> to vector<16xf32>
        %add3A_467 = arith.addf %get3A_466, %get3A_154 : vector<16xf32>
        %swap3A_468 = arith.index_cast %add3A_442 : i32 to index
        %swap3A_469 = arith.constant 32 : index
        %swap3A_470 = tpu.vector_load %arg7[%swap3A_468, %swap3A_469] {strides = array<i32>} : memref<256x128xf32, #tpu.memory_space<vmem>>, vector<1x16xf32>,
        %swap3A_471 = vector.shape_cast %swap3A_470 : vector<1x16xf32> to vector<16xf32>
        %swap3A_472 = vector.shape_cast %add3A_467 : vector<16xf32> to vector<1x16xf32>
        tpu.vector_store %arg7[%swap3A_468, %swap3A_469], %swap3A_472 {strides = array<i32>} : memref<256x128xf32, #tpu.memory_space<vmem>>, vector<1x16xf32>,
        %get3A_473 = arith.index_cast %add3A_442 : i32 to index
        %get3A_474 = arith.constant 48 : index
        %get3A_475 = tpu.vector_load %arg7[%get3A_473, %get3A_474] {strides = array<i32>} : memref<256x128xf32, #tpu.memory_space<vmem>>, vector<1x16xf32>,
        %get3A_476 = vector.shape_cast %get3A_475 : vector<1x16xf32> to vector<16xf32>
        %add3A_477 = arith.addf %get3A_476, %get3A_161 : vector<16xf32>
        %swap3A_478 = arith.index_cast %add3A_442 : i32 to index
        %swap3A_479 = arith.constant 48 : index
        %swap3A_480 = tpu.vector_load %arg7[%swap3A_478, %swap3A_479] {strides = array<i32>} : memref<256x128xf32, #tpu.memory_space<vmem>>, vector<1x16xf32>,
        %swap3A_481 = vector.shape_cast %swap3A_480 : vector<1x16xf32> to vector<16xf32>
        %swap3A_482 = vector.shape_cast %add3A_477 : vector<16xf32> to vector<1x16xf32>
        tpu.vector_store %arg7[%swap3A_478, %swap3A_479], %swap3A_482 {strides = array<i32>} : memref<256x128xf32, #tpu.memory_space<vmem>>, vector<1x16xf32>,
        %mul3A_483 = arith.constant 16 : i32
        %mul3A_484 = arith.muli %scan3A_134, %mul3A_483 : i32
        %add3A_485 = arith.constant 128 : i32
        %add3A_486 = arith.addi %add3A_485, %mul3A_484 : i32
        %add3A_487 = arith.constant 7 : i32
        %add3A_488 = arith.addi %add3A_486, %add3A_487 : i32
        %get3A_489 = arith.index_cast %add3A_488 : i32 to index
        %get3A_490 = arith.constant 0 : index
        %get3A_491 = tpu.vector_load %arg7[%get3A_489, %get3A_490] {strides = array<i32>} : memref<256x128xf32, #tpu.memory_space<vmem>>, vector<1x16xf32>,
        %get3A_492 = vector.shape_cast %get3A_491 : vector<1x16xf32> to vector<16xf32>
        %add3A_493 = arith.addf %get3A_492, %get3A_140 : vector<16xf32>
        %swap3A_494 = arith.index_cast %add3A_488 : i32 to index
        %swap3A_495 = arith.constant 0 : index
        %swap3A_496 = tpu.vector_load %arg7[%swap3A_494, %swap3A_495] {strides = array<i32>} : memref<256x128xf32, #tpu.memory_space<vmem>>, vector<1x16xf32>,
        %swap3A_497 = vector.shape_cast %swap3A_496 : vector<1x16xf32> to vector<16xf32>
        %swap3A_498 = vector.shape_cast %add3A_493 : vector<16xf32> to vector<1x16xf32>
        tpu.vector_store %arg7[%swap3A_494, %swap3A_495], %swap3A_498 {strides = array<i32>} : memref<256x128xf32, #tpu.memory_space<vmem>>, vector<1x16xf32>,
        %get3A_499 = arith.index_cast %add3A_488 : i32 to index
        %get3A_500 = arith.constant 16 : index
        %get3A_501 = tpu.vector_load %arg7[%get3A_499, %get3A_500] {strides = array<i32>} : memref<256x128xf32, #tpu.memory_space<vmem>>, vector<1x16xf32>,
        %get3A_502 = vector.shape_cast %get3A_501 : vector<1x16xf32> to vector<16xf32>
        %add3A_503 = arith.addf %get3A_502, %get3A_147 : vector<16xf32>
        %swap3A_504 = arith.index_cast %add3A_488 : i32 to index
        %swap3A_505 = arith.constant 16 : index
        %swap3A_506 = tpu.vector_load %arg7[%swap3A_504, %swap3A_505] {strides = array<i32>} : memref<256x128xf32, #tpu.memory_space<vmem>>, vector<1x16xf32>,
        %swap3A_507 = vector.shape_cast %swap3A_506 : vector<1x16xf32> to vector<16xf32>
        %swap3A_508 = vector.shape_cast %add3A_503 : vector<16xf32> to vector<1x16xf32>
        tpu.vector_store %arg7[%swap3A_504, %swap3A_505], %swap3A_508 {strides = array<i32>} : memref<256x128xf32, #tpu.memory_space<vmem>>, vector<1x16xf32>,
        %get3A_509 = arith.index_cast %add3A_488 : i32 to index
        %get3A_510 = arith.constant 32 : index
        %get3A_511 = tpu.vector_load %arg7[%get3A_509, %get3A_510] {strides = array<i32>} : memref<256x128xf32, #tpu.memory_space<vmem>>, vector<1x16xf32>,
        %get3A_512 = vector.shape_cast %get3A_511 : vector<1x16xf32> to vector<16xf32>
        %add3A_513 = arith.addf %get3A_512, %get3A_154 : vector<16xf32>
        %swap3A_514 = arith.index_cast %add3A_488 : i32 to index
        %swap3A_515 = arith.constant 32 : index
        %swap3A_516 = tpu.vector_load %arg7[%swap3A_514, %swap3A_515] {strides = array<i32>} : memref<256x128xf32, #tpu.memory_space<vmem>>, vector<1x16xf32>,
        %swap3A_517 = vector.shape_cast %swap3A_516 : vector<1x16xf32> to vector<16xf32>
        %swap3A_518 = vector.shape_cast %add3A_513 : vector<16xf32> to vector<1x16xf32>
        tpu.vector_store %arg7[%swap3A_514, %swap3A_515], %swap3A_518 {strides = array<i32>} : memref<256x128xf32, #tpu.memory_space<vmem>>, vector<1x16xf32>,
        %get3A_519 = arith.index_cast %add3A_488 : i32 to index
        %get3A_520 = arith.constant 48 : index
        %get3A_521 = tpu.vector_load %arg7[%get3A_519, %get3A_520] {strides = array<i32>} : memref<256x128xf32, #tpu.memory_space<vmem>>, vector<1x16xf32>,
        %get3A_522 = vector.shape_cast %get3A_521 : vector<1x16xf32> to vector<16xf32>
        %add3A_523 = arith.addf %get3A_522, %get3A_161 : vector<16xf32>
        %swap3A_524 = arith.index_cast %add3A_488 : i32 to index
        %swap3A_525 = arith.constant 48 : index
        %swap3A_526 = tpu.vector_load %arg7[%swap3A_524, %swap3A_525] {strides = array<i32>} : memref<256x128xf32, #tpu.memory_space<vmem>>, vector<1x16xf32>,
        %swap3A_527 = vector.shape_cast %swap3A_526 : vector<1x16xf32> to vector<16xf32>
        %swap3A_528 = vector.shape_cast %add3A_523 : vector<16xf32> to vector<1x16xf32>
        tpu.vector_store %arg7[%swap3A_524, %swap3A_525], %swap3A_528 {strides = array<i32>} : memref<256x128xf32, #tpu.memory_space<vmem>>, vector<1x16xf32>,
        %mul3A_529 = arith.constant 16 : i32
        %mul3A_530 = arith.muli %scan3A_134, %mul3A_529 : i32
        %add3A_531 = arith.constant 128 : i32
        %add3A_532 = arith.addi %add3A_531, %mul3A_530 : i32
        %add3A_533 = arith.constant 8 : i32
        %add3A_534 = arith.addi %add3A_532, %add3A_533 : i32
        %get3A_535 = arith.index_cast %add3A_534 : i32 to index
        %get3A_536 = arith.constant 0 : index
        %get3A_537 = tpu.vector_load %arg7[%get3A_535, %get3A_536] {strides = array<i32>} : memref<256x128xf32, #tpu.memory_space<vmem>>, vector<1x16xf32>,
        %get3A_538 = vector.shape_cast %get3A_537 : vector<1x16xf32> to vector<16xf32>
        %add3A_539 = arith.addf %get3A_538, %get3A_140 : vector<16xf32>
        %swap3A_540 = arith.index_cast %add3A_534 : i32 to index
        %swap3A_541 = arith.constant 0 : index
        %swap3A_542 = tpu.vector_load %arg7[%swap3A_540, %swap3A_541] {strides = array<i32>} : memref<256x128xf32, #tpu.memory_space<vmem>>, vector<1x16xf32>,
        %swap3A_543 = vector.shape_cast %swap3A_542 : vector<1x16xf32> to vector<16xf32>
        %swap3A_544 = vector.shape_cast %add3A_539 : vector<16xf32> to vector<1x16xf32>
        tpu.vector_store %arg7[%swap3A_540, %swap3A_541], %swap3A_544 {strides = array<i32>} : memref<256x128xf32, #tpu.memory_space<vmem>>, vector<1x16xf32>,
        %get3A_545 = arith.index_cast %add3A_534 : i32 to index
        %get3A_546 = arith.constant 16 : index
        %get3A_547 = tpu.vector_load %arg7[%get3A_545, %get3A_546] {strides = array<i32>} : memref<256x128xf32, #tpu.memory_space<vmem>>, vector<1x16xf32>,
        %get3A_548 = vector.shape_cast %get3A_547 : vector<1x16xf32> to vector<16xf32>
        %add3A_549 = arith.addf %get3A_548, %get3A_147 : vector<16xf32>
        %swap3A_550 = arith.index_cast %add3A_534 : i32 to index
        %swap3A_551 = arith.constant 16 : index
        %swap3A_552 = tpu.vector_load %arg7[%swap3A_550, %swap3A_551] {strides = array<i32>} : memref<256x128xf32, #tpu.memory_space<vmem>>, vector<1x16xf32>,
        %swap3A_553 = vector.shape_cast %swap3A_552 : vector<1x16xf32> to vector<16xf32>
        %swap3A_554 = vector.shape_cast %add3A_549 : vector<16xf32> to vector<1x16xf32>
        tpu.vector_store %arg7[%swap3A_550, %swap3A_551], %swap3A_554 {strides = array<i32>} : memref<256x128xf32, #tpu.memory_space<vmem>>, vector<1x16xf32>,
        %get3A_555 = arith.index_cast %add3A_534 : i32 to index
        %get3A_556 = arith.constant 32 : index
        %get3A_557 = tpu.vector_load %arg7[%get3A_555, %get3A_556] {strides = array<i32>} : memref<256x128xf32, #tpu.memory_space<vmem>>, vector<1x16xf32>,
        %get3A_558 = vector.shape_cast %get3A_557 : vector<1x16xf32> to vector<16xf32>
        %add3A_559 = arith.addf %get3A_558, %get3A_154 : vector<16xf32>
        %swap3A_560 = arith.index_cast %add3A_534 : i32 to index
        %swap3A_561 = arith.constant 32 : index
        %swap3A_562 = tpu.vector_load %arg7[%swap3A_560, %swap3A_561] {strides = array<i32>} : memref<256x128xf32, #tpu.memory_space<vmem>>, vector<1x16xf32>,
        %swap3A_563 = vector.shape_cast %swap3A_562 : vector<1x16xf32> to vector<16xf32>
        %swap3A_564 = vector.shape_cast %add3A_559 : vector<16xf32> to vector<1x16xf32>
        tpu.vector_store %arg7[%swap3A_560, %swap3A_561], %swap3A_564 {strides = array<i32>} : memref<256x128xf32, #tpu.memory_space<vmem>>, vector<1x16xf32>,
        %get3A_565 = arith.index_cast %add3A_534 : i32 to index
        %get3A_566 = arith.constant 48 : index
        %get3A_567 = tpu.vector_load %arg7[%get3A_565, %get3A_566] {strides = array<i32>} : memref<256x128xf32, #tpu.memory_space<vmem>>, vector<1x16xf32>,
        %get3A_568 = vector.shape_cast %get3A_567 : vector<1x16xf32> to vector<16xf32>
        %add3A_569 = arith.addf %get3A_568, %get3A_161 : vector<16xf32>
        %swap3A_570 = arith.index_cast %add3A_534 : i32 to index
        %swap3A_571 = arith.constant 48 : index
        %swap3A_572 = tpu.vector_load %arg7[%swap3A_570, %swap3A_571] {strides = array<i32>} : memref<256x128xf32, #tpu.memory_space<vmem>>, vector<1x16xf32>,
        %swap3A_573 = vector.shape_cast %swap3A_572 : vector<1x16xf32> to vector<16xf32>
        %swap3A_574 = vector.shape_cast %add3A_569 : vector<16xf32> to vector<1x16xf32>
        tpu.vector_store %arg7[%swap3A_570, %swap3A_571], %swap3A_574 {strides = array<i32>} : memref<256x128xf32, #tpu.memory_space<vmem>>, vector<1x16xf32>,
        %mul3A_575 = arith.constant 16 : i32
        %mul3A_576 = arith.muli %scan3A_134, %mul3A_575 : i32
        %add3A_577 = arith.constant 128 : i32
        %add3A_578 = arith.addi %add3A_577, %mul3A_576 : i32
        %add3A_579 = arith.constant 9 : i32
        %add3A_580 = arith.addi %add3A_578, %add3A_579 : i32
        %get3A_581 = arith.index_cast %add3A_580 : i32 to index
        %get3A_582 = arith.constant 0 : index
        %get3A_583 = tpu.vector_load %arg7[%get3A_581, %get3A_582] {strides = array<i32>} : memref<256x128xf32, #tpu.memory_space<vmem>>, vector<1x16xf32>,
        %get3A_584 = vector.shape_cast %get3A_583 : vector<1x16xf32> to vector<16xf32>
        %add3A_585 = arith.addf %get3A_584, %get3A_140 : vector<16xf32>
        %swap3A_586 = arith.index_cast %add3A_580 : i32 to index
        %swap3A_587 = arith.constant 0 : index
        %swap3A_588 = tpu.vector_load %arg7[%swap3A_586, %swap3A_587] {strides = array<i32>} : memref<256x128xf32, #tpu.memory_space<vmem>>, vector<1x16xf32>,
        %swap3A_589 = vector.shape_cast %swap3A_588 : vector<1x16xf32> to vector<16xf32>
        %swap3A_590 = vector.shape_cast %add3A_585 : vector<16xf32> to vector<1x16xf32>
        tpu.vector_store %arg7[%swap3A_586, %swap3A_587], %swap3A_590 {strides = array<i32>} : memref<256x128xf32, #tpu.memory_space<vmem>>, vector<1x16xf32>,
        %get3A_591 = arith.index_cast %add3A_580 : i32 to index
        %get3A_592 = arith.constant 16 : index
        %get3A_593 = tpu.vector_load %arg7[%get3A_591, %get3A_592] {strides = array<i32>} : memref<256x128xf32, #tpu.memory_space<vmem>>, vector<1x16xf32>,
        %get3A_594 = vector.shape_cast %get3A_593 : vector<1x16xf32> to vector<16xf32>
        %add3A_595 = arith.addf %get3A_594, %get3A_147 : vector<16xf32>
        %swap3A_596 = arith.index_cast %add3A_580 : i32 to index
        %swap3A_597 = arith.constant 16 : index
        %swap3A_598 = tpu.vector_load %arg7[%swap3A_596, %swap3A_597] {strides = array<i32>} : memref<256x128xf32, #tpu.memory_space<vmem>>, vector<1x16xf32>,
        %swap3A_599 = vector.shape_cast %swap3A_598 : vector<1x16xf32> to vector<16xf32>
        %swap3A_600 = vector.shape_cast %add3A_595 : vector<16xf32> to vector<1x16xf32>
        tpu.vector_store %arg7[%swap3A_596, %swap3A_597], %swap3A_600 {strides = array<i32>} : memref<256x128xf32, #tpu.memory_space<vmem>>, vector<1x16xf32>,
        %get3A_601 = arith.index_cast %add3A_580 : i32 to index
        %get3A_602 = arith.constant 32 : index
        %get3A_603 = tpu.vector_load %arg7[%get3A_601, %get3A_602] {strides = array<i32>} : memref<256x128xf32, #tpu.memory_space<vmem>>, vector<1x16xf32>,
        %get3A_604 = vector.shape_cast %get3A_603 : vector<1x16xf32> to vector<16xf32>
        %add3A_605 = arith.addf %get3A_604, %get3A_154 : vector<16xf32>
        %swap3A_606 = arith.index_cast %add3A_580 : i32 to index
        %swap3A_607 = arith.constant 32 : index
        %swap3A_608 = tpu.vector_load %arg7[%swap3A_606, %swap3A_607] {strides = array<i32>} : memref<256x128xf32, #tpu.memory_space<vmem>>, vector<1x16xf32>,
        %swap3A_609 = vector.shape_cast %swap3A_608 : vector<1x16xf32> to vector<16xf32>
        %swap3A_610 = vector.shape_cast %add3A_605 : vector<16xf32> to vector<1x16xf32>
        tpu.vector_store %arg7[%swap3A_606, %swap3A_607], %swap3A_610 {strides = array<i32>} : memref<256x128xf32, #tpu.memory_space<vmem>>, vector<1x16xf32>,
        %get3A_611 = arith.index_cast %add3A_580 : i32 to index
        %get3A_612 = arith.constant 48 : index
        %get3A_613 = tpu.vector_load %arg7[%get3A_611, %get3A_612] {strides = array<i32>} : memref<256x128xf32, #tpu.memory_space<vmem>>, vector<1x16xf32>,
        %get3A_614 = vector.shape_cast %get3A_613 : vector<1x16xf32> to vector<16xf32>
        %add3A_615 = arith.addf %get3A_614, %get3A_161 : vector<16xf32>
        %swap3A_616 = arith.index_cast %add3A_580 : i32 to index
        %swap3A_617 = arith.constant 48 : index
        %swap3A_618 = tpu.vector_load %arg7[%swap3A_616, %swap3A_617] {strides = array<i32>} : memref<256x128xf32, #tpu.memory_space<vmem>>, vector<1x16xf32>,
        %swap3A_619 = vector.shape_cast %swap3A_618 : vector<1x16xf32> to vector<16xf32>
        %swap3A_620 = vector.shape_cast %add3A_615 : vector<16xf32> to vector<1x16xf32>
        tpu.vector_store %arg7[%swap3A_616, %swap3A_617], %swap3A_620 {strides = array<i32>} : memref<256x128xf32, #tpu.memory_space<vmem>>, vector<1x16xf32>,
        %mul3A_621 = arith.constant 16 : i32
        %mul3A_622 = arith.muli %scan3A_134, %mul3A_621 : i32
        %add3A_623 = arith.constant 128 : i32
        %add3A_624 = arith.addi %add3A_623, %mul3A_622 : i32
        %add3A_625 = arith.constant 10 : i32
        %add3A_626 = arith.addi %add3A_624, %add3A_625 : i32
        %get3A_627 = arith.index_cast %add3A_626 : i32 to index
        %get3A_628 = arith.constant 0 : index
        %get3A_629 = tpu.vector_load %arg7[%get3A_627, %get3A_628] {strides = array<i32>} : memref<256x128xf32, #tpu.memory_space<vmem>>, vector<1x16xf32>,
        %get3A_630 = vector.shape_cast %get3A_629 : vector<1x16xf32> to vector<16xf32>
        %add3A_631 = arith.addf %get3A_630, %get3A_140 : vector<16xf32>
        %swap3A_632 = arith.index_cast %add3A_626 : i32 to index
        %swap3A_633 = arith.constant 0 : index
        %swap3A_634 = tpu.vector_load %arg7[%swap3A_632, %swap3A_633] {strides = array<i32>} : memref<256x128xf32, #tpu.memory_space<vmem>>, vector<1x16xf32>,
        %swap3A_635 = vector.shape_cast %swap3A_634 : vector<1x16xf32> to vector<16xf32>
        %swap3A_636 = vector.shape_cast %add3A_631 : vector<16xf32> to vector<1x16xf32>
        tpu.vector_store %arg7[%swap3A_632, %swap3A_633], %swap3A_636 {strides = array<i32>} : memref<256x128xf32, #tpu.memory_space<vmem>>, vector<1x16xf32>,
        %get3A_637 = arith.index_cast %add3A_626 : i32 to index
        %get3A_638 = arith.constant 16 : index
        %get3A_639 = tpu.vector_load %arg7[%get3A_637, %get3A_638] {strides = array<i32>} : memref<256x128xf32, #tpu.memory_space<vmem>>, vector<1x16xf32>,
        %get3A_640 = vector.shape_cast %get3A_639 : vector<1x16xf32> to vector<16xf32>
        %add3A_641 = arith.addf %get3A_640, %get3A_147 : vector<16xf32>
        %swap3A_642 = arith.index_cast %add3A_626 : i32 to index
        %swap3A_643 = arith.constant 16 : index
        %swap3A_644 = tpu.vector_load %arg7[%swap3A_642, %swap3A_643] {strides = array<i32>} : memref<256x128xf32, #tpu.memory_space<vmem>>, vector<1x16xf32>,
        %swap3A_645 = vector.shape_cast %swap3A_644 : vector<1x16xf32> to vector<16xf32>
        %swap3A_646 = vector.shape_cast %add3A_641 : vector<16xf32> to vector<1x16xf32>
        tpu.vector_store %arg7[%swap3A_642, %swap3A_643], %swap3A_646 {strides = array<i32>} : memref<256x128xf32, #tpu.memory_space<vmem>>, vector<1x16xf32>,
        %get3A_647 = arith.index_cast %add3A_626 : i32 to index
        %get3A_648 = arith.constant 32 : index
        %get3A_649 = tpu.vector_load %arg7[%get3A_647, %get3A_648] {strides = array<i32>} : memref<256x128xf32, #tpu.memory_space<vmem>>, vector<1x16xf32>,
        %get3A_650 = vector.shape_cast %get3A_649 : vector<1x16xf32> to vector<16xf32>
        %add3A_651 = arith.addf %get3A_650, %get3A_154 : vector<16xf32>
        %swap3A_652 = arith.index_cast %add3A_626 : i32 to index
        %swap3A_653 = arith.constant 32 : index
        %swap3A_654 = tpu.vector_load %arg7[%swap3A_652, %swap3A_653] {strides = array<i32>} : memref<256x128xf32, #tpu.memory_space<vmem>>, vector<1x16xf32>,
        %swap3A_655 = vector.shape_cast %swap3A_654 : vector<1x16xf32> to vector<16xf32>
        %swap3A_656 = vector.shape_cast %add3A_651 : vector<16xf32> to vector<1x16xf32>
        tpu.vector_store %arg7[%swap3A_652, %swap3A_653], %swap3A_656 {strides = array<i32>} : memref<256x128xf32, #tpu.memory_space<vmem>>, vector<1x16xf32>,
        %get3A_657 = arith.index_cast %add3A_626 : i32 to index
        %get3A_658 = arith.constant 48 : index
        %get3A_659 = tpu.vector_load %arg7[%get3A_657, %get3A_658] {strides = array<i32>} : memref<256x128xf32, #tpu.memory_space<vmem>>, vector<1x16xf32>,
        %get3A_660 = vector.shape_cast %get3A_659 : vector<1x16xf32> to vector<16xf32>
        %add3A_661 = arith.addf %get3A_660, %get3A_161 : vector<16xf32>
        %swap3A_662 = arith.index_cast %add3A_626 : i32 to index
        %swap3A_663 = arith.constant 48 : index
        %swap3A_664 = tpu.vector_load %arg7[%swap3A_662, %swap3A_663] {strides = array<i32>} : memref<256x128xf32, #tpu.memory_space<vmem>>, vector<1x16xf32>,
        %swap3A_665 = vector.shape_cast %swap3A_664 : vector<1x16xf32> to vector<16xf32>
        %swap3A_666 = vector.shape_cast %add3A_661 : vector<16xf32> to vector<1x16xf32>
        tpu.vector_store %arg7[%swap3A_662, %swap3A_663], %swap3A_666 {strides = array<i32>} : memref<256x128xf32, #tpu.memory_space<vmem>>, vector<1x16xf32>,
        %mul3A_667 = arith.constant 16 : i32
        %mul3A_668 = arith.muli %scan3A_134, %mul3A_667 : i32
        %add3A_669 = arith.constant 128 : i32
        %add3A_670 = arith.addi %add3A_669, %mul3A_668 : i32
        %add3A_671 = arith.constant 11 : i32
        %add3A_672 = arith.addi %add3A_670, %add3A_671 : i32
        %get3A_673 = arith.index_cast %add3A_672 : i32 to index
        %get3A_674 = arith.constant 0 : index
        %get3A_675 = tpu.vector_load %arg7[%get3A_673, %get3A_674] {strides = array<i32>} : memref<256x128xf32, #tpu.memory_space<vmem>>, vector<1x16xf32>,
        %get3A_676 = vector.shape_cast %get3A_675 : vector<1x16xf32> to vector<16xf32>
        %add3A_677 = arith.addf %get3A_676, %get3A_140 : vector<16xf32>
        %swap3A_678 = arith.index_cast %add3A_672 : i32 to index
        %swap3A_679 = arith.constant 0 : index
        %swap3A_680 = tpu.vector_load %arg7[%swap3A_678, %swap3A_679] {strides = array<i32>} : memref<256x128xf32, #tpu.memory_space<vmem>>, vector<1x16xf32>,
        %swap3A_681 = vector.shape_cast %swap3A_680 : vector<1x16xf32> to vector<16xf32>
        %swap3A_682 = vector.shape_cast %add3A_677 : vector<16xf32> to vector<1x16xf32>
        tpu.vector_store %arg7[%swap3A_678, %swap3A_679], %swap3A_682 {strides = array<i32>} : memref<256x128xf32, #tpu.memory_space<vmem>>, vector<1x16xf32>,
        %get3A_683 = arith.index_cast %add3A_672 : i32 to index
        %get3A_684 = arith.constant 16 : index
        %get3A_685 = tpu.vector_load %arg7[%get3A_683, %get3A_684] {strides = array<i32>} : memref<256x128xf32, #tpu.memory_space<vmem>>, vector<1x16xf32>,
        %get3A_686 = vector.shape_cast %get3A_685 : vector<1x16xf32> to vector<16xf32>
        %add3A_687 = arith.addf %get3A_686, %get3A_147 : vector<16xf32>
        %swap3A_688 = arith.index_cast %add3A_672 : i32 to index
        %swap3A_689 = arith.constant 16 : index
        %swap3A_690 = tpu.vector_load %arg7[%swap3A_688, %swap3A_689] {strides = array<i32>} : memref<256x128xf32, #tpu.memory_space<vmem>>, vector<1x16xf32>,
        %swap3A_691 = vector.shape_cast %swap3A_690 : vector<1x16xf32> to vector<16xf32>
        %swap3A_692 = vector.shape_cast %add3A_687 : vector<16xf32> to vector<1x16xf32>
        tpu.vector_store %arg7[%swap3A_688, %swap3A_689], %swap3A_692 {strides = array<i32>} : memref<256x128xf32, #tpu.memory_space<vmem>>, vector<1x16xf32>,
        %get3A_693 = arith.index_cast %add3A_672 : i32 to index
        %get3A_694 = arith.constant 32 : index
        %get3A_695 = tpu.vector_load %arg7[%get3A_693, %get3A_694] {strides = array<i32>} : memref<256x128xf32, #tpu.memory_space<vmem>>, vector<1x16xf32>,
        %get3A_696 = vector.shape_cast %get3A_695 : vector<1x16xf32> to vector<16xf32>
        %add3A_697 = arith.addf %get3A_696, %get3A_154 : vector<16xf32>
        %swap3A_698 = arith.index_cast %add3A_672 : i32 to index
        %swap3A_699 = arith.constant 32 : index
        %swap3A_700 = tpu.vector_load %arg7[%swap3A_698, %swap3A_699] {strides = array<i32>} : memref<256x128xf32, #tpu.memory_space<vmem>>, vector<1x16xf32>,
        %swap3A_701 = vector.shape_cast %swap3A_700 : vector<1x16xf32> to vector<16xf32>
        %swap3A_702 = vector.shape_cast %add3A_697 : vector<16xf32> to vector<1x16xf32>
        tpu.vector_store %arg7[%swap3A_698, %swap3A_699], %swap3A_702 {strides = array<i32>} : memref<256x128xf32, #tpu.memory_space<vmem>>, vector<1x16xf32>,
        %get3A_703 = arith.index_cast %add3A_672 : i32 to index
        %get3A_704 = arith.constant 48 : index
        %get3A_705 = tpu.vector_load %arg7[%get3A_703, %get3A_704] {strides = array<i32>} : memref<256x128xf32, #tpu.memory_space<vmem>>, vector<1x16xf32>,
        %get3A_706 = vector.shape_cast %get3A_705 : vector<1x16xf32> to vector<16xf32>
        %add3A_707 = arith.addf %get3A_706, %get3A_161 : vector<16xf32>
        %swap3A_708 = arith.index_cast %add3A_672 : i32 to index
        %swap3A_709 = arith.constant 48 : index
        %swap3A_710 = tpu.vector_load %arg7[%swap3A_708, %swap3A_709] {strides = array<i32>} : memref<256x128xf32, #tpu.memory_space<vmem>>, vector<1x16xf32>,
        %swap3A_711 = vector.shape_cast %swap3A_710 : vector<1x16xf32> to vector<16xf32>
        %swap3A_712 = vector.shape_cast %add3A_707 : vector<16xf32> to vector<1x16xf32>
        tpu.vector_store %arg7[%swap3A_708, %swap3A_709], %swap3A_712 {strides = array<i32>} : memref<256x128xf32, #tpu.memory_space<vmem>>, vector<1x16xf32>,
        %mul3A_713 = arith.constant 16 : i32
        %mul3A_714 = arith.muli %scan3A_134, %mul3A_713 : i32
        %add3A_715 = arith.constant 128 : i32
        %add3A_716 = arith.addi %add3A_715, %mul3A_714 : i32
        %add3A_717 = arith.constant 12 : i32
        %add3A_718 = arith.addi %add3A_716, %add3A_717 : i32
        %get3A_719 = arith.index_cast %add3A_718 : i32 to index
        %get3A_720 = arith.constant 0 : index
        %get3A_721 = tpu.vector_load %arg7[%get3A_719, %get3A_720] {strides = array<i32>} : memref<256x128xf32, #tpu.memory_space<vmem>>, vector<1x16xf32>,
        %get3A_722 = vector.shape_cast %get3A_721 : vector<1x16xf32> to vector<16xf32>
        %add3A_723 = arith.addf %get3A_722, %get3A_140 : vector<16xf32>
        %swap3A_724 = arith.index_cast %add3A_718 : i32 to index
        %swap3A_725 = arith.constant 0 : index
        %swap3A_726 = tpu.vector_load %arg7[%swap3A_724, %swap3A_725] {strides = array<i32>} : memref<256x128xf32, #tpu.memory_space<vmem>>, vector<1x16xf32>,
        %swap3A_727 = vector.shape_cast %swap3A_726 : vector<1x16xf32> to vector<16xf32>
        %swap3A_728 = vector.shape_cast %add3A_723 : vector<16xf32> to vector<1x16xf32>
        tpu.vector_store %arg7[%swap3A_724, %swap3A_725], %swap3A_728 {strides = array<i32>} : memref<256x128xf32, #tpu.memory_space<vmem>>, vector<1x16xf32>,
        %get3A_729 = arith.index_cast %add3A_718 : i32 to index
        %get3A_730 = arith.constant 16 : index
        %get3A_731 = tpu.vector_load %arg7[%get3A_729, %get3A_730] {strides = array<i32>} : memref<256x128xf32, #tpu.memory_space<vmem>>, vector<1x16xf32>,
        %get3A_732 = vector.shape_cast %get3A_731 : vector<1x16xf32> to vector<16xf32>
        %add3A_733 = arith.addf %get3A_732, %get3A_147 : vector<16xf32>
        %swap3A_734 = arith.index_cast %add3A_718 : i32 to index
        %swap3A_735 = arith.constant 16 : index
        %swap3A_736 = tpu.vector_load %arg7[%swap3A_734, %swap3A_735] {strides = array<i32>} : memref<256x128xf32, #tpu.memory_space<vmem>>, vector<1x16xf32>,
        %swap3A_737 = vector.shape_cast %swap3A_736 : vector<1x16xf32> to vector<16xf32>
        %swap3A_738 = vector.shape_cast %add3A_733 : vector<16xf32> to vector<1x16xf32>
        tpu.vector_store %arg7[%swap3A_734, %swap3A_735], %swap3A_738 {strides = array<i32>} : memref<256x128xf32, #tpu.memory_space<vmem>>, vector<1x16xf32>,
        %get3A_739 = arith.index_cast %add3A_718 : i32 to index
        %get3A_740 = arith.constant 32 : index
        %get3A_741 = tpu.vector_load %arg7[%get3A_739, %get3A_740] {strides = array<i32>} : memref<256x128xf32, #tpu.memory_space<vmem>>, vector<1x16xf32>,
        %get3A_742 = vector.shape_cast %get3A_741 : vector<1x16xf32> to vector<16xf32>
        %add3A_743 = arith.addf %get3A_742, %get3A_154 : vector<16xf32>
        %swap3A_744 = arith.index_cast %add3A_718 : i32 to index
        %swap3A_745 = arith.constant 32 : index
        %swap3A_746 = tpu.vector_load %arg7[%swap3A_744, %swap3A_745] {strides = array<i32>} : memref<256x128xf32, #tpu.memory_space<vmem>>, vector<1x16xf32>,
        %swap3A_747 = vector.shape_cast %swap3A_746 : vector<1x16xf32> to vector<16xf32>
        %swap3A_748 = vector.shape_cast %add3A_743 : vector<16xf32> to vector<1x16xf32>
        tpu.vector_store %arg7[%swap3A_744, %swap3A_745], %swap3A_748 {strides = array<i32>} : memref<256x128xf32, #tpu.memory_space<vmem>>, vector<1x16xf32>,
        %get3A_749 = arith.index_cast %add3A_718 : i32 to index
        %get3A_750 = arith.constant 48 : index
        %get3A_751 = tpu.vector_load %arg7[%get3A_749, %get3A_750] {strides = array<i32>} : memref<256x128xf32, #tpu.memory_space<vmem>>, vector<1x16xf32>,
        %get3A_752 = vector.shape_cast %get3A_751 : vector<1x16xf32> to vector<16xf32>
        %add3A_753 = arith.addf %get3A_752, %get3A_161 : vector<16xf32>
        %swap3A_754 = arith.index_cast %add3A_718 : i32 to index
        %swap3A_755 = arith.constant 48 : index
        %swap3A_756 = tpu.vector_load %arg7[%swap3A_754, %swap3A_755] {strides = array<i32>} : memref<256x128xf32, #tpu.memory_space<vmem>>, vector<1x16xf32>,
        %swap3A_757 = vector.shape_cast %swap3A_756 : vector<1x16xf32> to vector<16xf32>
        %swap3A_758 = vector.shape_cast %add3A_753 : vector<16xf32> to vector<1x16xf32>
        tpu.vector_store %arg7[%swap3A_754, %swap3A_755], %swap3A_758 {strides = array<i32>} : memref<256x128xf32, #tpu.memory_space<vmem>>, vector<1x16xf32>,
        %mul3A_759 = arith.constant 16 : i32
        %mul3A_760 = arith.muli %scan3A_134, %mul3A_759 : i32
        %add3A_761 = arith.constant 128 : i32
        %add3A_762 = arith.addi %add3A_761, %mul3A_760 : i32
        %add3A_763 = arith.constant 13 : i32
        %add3A_764 = arith.addi %add3A_762, %add3A_763 : i32
        %get3A_765 = arith.index_cast %add3A_764 : i32 to index
        %get3A_766 = arith.constant 0 : index
        %get3A_767 = tpu.vector_load %arg7[%get3A_765, %get3A_766] {strides = array<i32>} : memref<256x128xf32, #tpu.memory_space<vmem>>, vector<1x16xf32>,
        %get3A_768 = vector.shape_cast %get3A_767 : vector<1x16xf32> to vector<16xf32>
        %add3A_769 = arith.addf %get3A_768, %get3A_140 : vector<16xf32>
        %swap3A_770 = arith.index_cast %add3A_764 : i32 to index
        %swap3A_771 = arith.constant 0 : index
        %swap3A_772 = tpu.vector_load %arg7[%swap3A_770, %swap3A_771] {strides = array<i32>} : memref<256x128xf32, #tpu.memory_space<vmem>>, vector<1x16xf32>,
        %swap3A_773 = vector.shape_cast %swap3A_772 : vector<1x16xf32> to vector<16xf32>
        %swap3A_774 = vector.shape_cast %add3A_769 : vector<16xf32> to vector<1x16xf32>
        tpu.vector_store %arg7[%swap3A_770, %swap3A_771], %swap3A_774 {strides = array<i32>} : memref<256x128xf32, #tpu.memory_space<vmem>>, vector<1x16xf32>,
        %get3A_775 = arith.index_cast %add3A_764 : i32 to index
        %get3A_776 = arith.constant 16 : index
        %get3A_777 = tpu.vector_load %arg7[%get3A_775, %get3A_776] {strides = array<i32>} : memref<256x128xf32, #tpu.memory_space<vmem>>, vector<1x16xf32>,
        %get3A_778 = vector.shape_cast %get3A_777 : vector<1x16xf32> to vector<16xf32>
        %add3A_779 = arith.addf %get3A_778, %get3A_147 : vector<16xf32>
        %swap3A_780 = arith.index_cast %add3A_764 : i32 to index
        %swap3A_781 = arith.constant 16 : index
        %swap3A_782 = tpu.vector_load %arg7[%swap3A_780, %swap3A_781] {strides = array<i32>} : memref<256x128xf32, #tpu.memory_space<vmem>>, vector<1x16xf32>,
        %swap3A_783 = vector.shape_cast %swap3A_782 : vector<1x16xf32> to vector<16xf32>
        %swap3A_784 = vector.shape_cast %add3A_779 : vector<16xf32> to vector<1x16xf32>
        tpu.vector_store %arg7[%swap3A_780, %swap3A_781], %swap3A_784 {strides = array<i32>} : memref<256x128xf32, #tpu.memory_space<vmem>>, vector<1x16xf32>,
        %get3A_785 = arith.index_cast %add3A_764 : i32 to index
        %get3A_786 = arith.constant 32 : index
        %get3A_787 = tpu.vector_load %arg7[%get3A_785, %get3A_786] {strides = array<i32>} : memref<256x128xf32, #tpu.memory_space<vmem>>, vector<1x16xf32>,
        %get3A_788 = vector.shape_cast %get3A_787 : vector<1x16xf32> to vector<16xf32>
        %add3A_789 = arith.addf %get3A_788, %get3A_154 : vector<16xf32>
        %swap3A_790 = arith.index_cast %add3A_764 : i32 to index
        %swap3A_791 = arith.constant 32 : index
        %swap3A_792 = tpu.vector_load %arg7[%swap3A_790, %swap3A_791] {strides = array<i32>} : memref<256x128xf32, #tpu.memory_space<vmem>>, vector<1x16xf32>,
        %swap3A_793 = vector.shape_cast %swap3A_792 : vector<1x16xf32> to vector<16xf32>
        %swap3A_794 = vector.shape_cast %add3A_789 : vector<16xf32> to vector<1x16xf32>
        tpu.vector_store %arg7[%swap3A_790, %swap3A_791], %swap3A_794 {strides = array<i32>} : memref<256x128xf32, #tpu.memory_space<vmem>>, vector<1x16xf32>,
        %get3A_795 = arith.index_cast %add3A_764 : i32 to index
        %get3A_796 = arith.constant 48 : index
        %get3A_797 = tpu.vector_load %arg7[%get3A_795, %get3A_796] {strides = array<i32>} : memref<256x128xf32, #tpu.memory_space<vmem>>, vector<1x16xf32>,
        %get3A_798 = vector.shape_cast %get3A_797 : vector<1x16xf32> to vector<16xf32>
        %add3A_799 = arith.addf %get3A_798, %get3A_161 : vector<16xf32>
        %swap3A_800 = arith.index_cast %add3A_764 : i32 to index
        %swap3A_801 = arith.constant 48 : index
        %swap3A_802 = tpu.vector_load %arg7[%swap3A_800, %swap3A_801] {strides = array<i32>} : memref<256x128xf32, #tpu.memory_space<vmem>>, vector<1x16xf32>,
        %swap3A_803 = vector.shape_cast %swap3A_802 : vector<1x16xf32> to vector<16xf32>
        %swap3A_804 = vector.shape_cast %add3A_799 : vector<16xf32> to vector<1x16xf32>
        tpu.vector_store %arg7[%swap3A_800, %swap3A_801], %swap3A_804 {strides = array<i32>} : memref<256x128xf32, #tpu.memory_space<vmem>>, vector<1x16xf32>,
        %mul3A_805 = arith.constant 16 : i32
        %mul3A_806 = arith.muli %scan3A_134, %mul3A_805 : i32
        %add3A_807 = arith.constant 128 : i32
        %add3A_808 = arith.addi %add3A_807, %mul3A_806 : i32
        %add3A_809 = arith.constant 14 : i32
        %add3A_810 = arith.addi %add3A_808, %add3A_809 : i32
        %get3A_811 = arith.index_cast %add3A_810 : i32 to index
        %get3A_812 = arith.constant 0 : index
        %get3A_813 = tpu.vector_load %arg7[%get3A_811, %get3A_812] {strides = array<i32>} : memref<256x128xf32, #tpu.memory_space<vmem>>, vector<1x16xf32>,
        %get3A_814 = vector.shape_cast %get3A_813 : vector<1x16xf32> to vector<16xf32>
        %add3A_815 = arith.addf %get3A_814, %get3A_140 : vector<16xf32>
        %swap3A_816 = arith.index_cast %add3A_810 : i32 to index
        %swap3A_817 = arith.constant 0 : index
        %swap3A_818 = tpu.vector_load %arg7[%swap3A_816, %swap3A_817] {strides = array<i32>} : memref<256x128xf32, #tpu.memory_space<vmem>>, vector<1x16xf32>,
        %swap3A_819 = vector.shape_cast %swap3A_818 : vector<1x16xf32> to vector<16xf32>
        %swap3A_820 = vector.shape_cast %add3A_815 : vector<16xf32> to vector<1x16xf32>
        tpu.vector_store %arg7[%swap3A_816, %swap3A_817], %swap3A_820 {strides = array<i32>} : memref<256x128xf32, #tpu.memory_space<vmem>>, vector<1x16xf32>,
        %get3A_821 = arith.index_cast %add3A_810 : i32 to index
        %get3A_822 = arith.constant 16 : index
        %get3A_823 = tpu.vector_load %arg7[%get3A_821, %get3A_822] {strides = array<i32>} : memref<256x128xf32, #tpu.memory_space<vmem>>, vector<1x16xf32>,
        %get3A_824 = vector.shape_cast %get3A_823 : vector<1x16xf32> to vector<16xf32>
        %add3A_825 = arith.addf %get3A_824, %get3A_147 : vector<16xf32>
        %swap3A_826 = arith.index_cast %add3A_810 : i32 to index
        %swap3A_827 = arith.constant 16 : index
        %swap3A_828 = tpu.vector_load %arg7[%swap3A_826, %swap3A_827] {strides = array<i32>} : memref<256x128xf32, #tpu.memory_space<vmem>>, vector<1x16xf32>,
        %swap3A_829 = vector.shape_cast %swap3A_828 : vector<1x16xf32> to vector<16xf32>
        %swap3A_830 = vector.shape_cast %add3A_825 : vector<16xf32> to vector<1x16xf32>
        tpu.vector_store %arg7[%swap3A_826, %swap3A_827], %swap3A_830 {strides = array<i32>} : memref<256x128xf32, #tpu.memory_space<vmem>>, vector<1x16xf32>,
        %get3A_831 = arith.index_cast %add3A_810 : i32 to index
        %get3A_832 = arith.constant 32 : index
        %get3A_833 = tpu.vector_load %arg7[%get3A_831, %get3A_832] {strides = array<i32>} : memref<256x128xf32, #tpu.memory_space<vmem>>, vector<1x16xf32>,
        %get3A_834 = vector.shape_cast %get3A_833 : vector<1x16xf32> to vector<16xf32>
        %add3A_835 = arith.addf %get3A_834, %get3A_154 : vector<16xf32>
        %swap3A_836 = arith.index_cast %add3A_810 : i32 to index
        %swap3A_837 = arith.constant 32 : index
        %swap3A_838 = tpu.vector_load %arg7[%swap3A_836, %swap3A_837] {strides = array<i32>} : memref<256x128xf32, #tpu.memory_space<vmem>>, vector<1x16xf32>,
        %swap3A_839 = vector.shape_cast %swap3A_838 : vector<1x16xf32> to vector<16xf32>
        %swap3A_840 = vector.shape_cast %add3A_835 : vector<16xf32> to vector<1x16xf32>
        tpu.vector_store %arg7[%swap3A_836, %swap3A_837], %swap3A_840 {strides = array<i32>} : memref<256x128xf32, #tpu.memory_space<vmem>>, vector<1x16xf32>,
        %get3A_841 = arith.index_cast %add3A_810 : i32 to index
        %get3A_842 = arith.constant 48 : index
        %get3A_843 = tpu.vector_load %arg7[%get3A_841, %get3A_842] {strides = array<i32>} : memref<256x128xf32, #tpu.memory_space<vmem>>, vector<1x16xf32>,
        %get3A_844 = vector.shape_cast %get3A_843 : vector<1x16xf32> to vector<16xf32>
        %add3A_845 = arith.addf %get3A_844, %get3A_161 : vector<16xf32>
        %swap3A_846 = arith.index_cast %add3A_810 : i32 to index
        %swap3A_847 = arith.constant 48 : index
        %swap3A_848 = tpu.vector_load %arg7[%swap3A_846, %swap3A_847] {strides = array<i32>} : memref<256x128xf32, #tpu.memory_space<vmem>>, vector<1x16xf32>,
        %swap3A_849 = vector.shape_cast %swap3A_848 : vector<1x16xf32> to vector<16xf32>
        %swap3A_850 = vector.shape_cast %add3A_845 : vector<16xf32> to vector<1x16xf32>
        tpu.vector_store %arg7[%swap3A_846, %swap3A_847], %swap3A_850 {strides = array<i32>} : memref<256x128xf32, #tpu.memory_space<vmem>>, vector<1x16xf32>,
        %mul3A_851 = arith.constant 16 : i32
        %mul3A_852 = arith.muli %scan3A_134, %mul3A_851 : i32
        %add3A_853 = arith.constant 128 : i32
        %add3A_854 = arith.addi %add3A_853, %mul3A_852 : i32
        %add3A_855 = arith.constant 15 : i32
        %add3A_856 = arith.addi %add3A_854, %add3A_855 : i32
        %get3A_857 = arith.index_cast %add3A_856 : i32 to index
        %get3A_858 = arith.constant 0 : index
        %get3A_859 = tpu.vector_load %arg7[%get3A_857, %get3A_858] {strides = array<i32>} : memref<256x128xf32, #tpu.memory_space<vmem>>, vector<1x16xf32>,
        %get3A_860 = vector.shape_cast %get3A_859 : vector<1x16xf32> to vector<16xf32>
        %add3A_861 = arith.addf %get3A_860, %get3A_140 : vector<16xf32>
        %swap3A_862 = arith.index_cast %add3A_856 : i32 to index
        %swap3A_863 = arith.constant 0 : index
        %swap3A_864 = tpu.vector_load %arg7[%swap3A_862, %swap3A_863] {strides = array<i32>} : memref<256x128xf32, #tpu.memory_space<vmem>>, vector<1x16xf32>,
        %swap3A_865 = vector.shape_cast %swap3A_864 : vector<1x16xf32> to vector<16xf32>
        %swap3A_866 = vector.shape_cast %add3A_861 : vector<16xf32> to vector<1x16xf32>
        tpu.vector_store %arg7[%swap3A_862, %swap3A_863], %swap3A_866 {strides = array<i32>} : memref<256x128xf32, #tpu.memory_space<vmem>>, vector<1x16xf32>,
        %get3A_867 = arith.index_cast %add3A_856 : i32 to index
        %get3A_868 = arith.constant 16 : index
        %get3A_869 = tpu.vector_load %arg7[%get3A_867, %get3A_868] {strides = array<i32>} : memref<256x128xf32, #tpu.memory_space<vmem>>, vector<1x16xf32>,
        %get3A_870 = vector.shape_cast %get3A_869 : vector<1x16xf32> to vector<16xf32>
        %add3A_871 = arith.addf %get3A_870, %get3A_147 : vector<16xf32>
        %swap3A_872 = arith.index_cast %add3A_856 : i32 to index
        %swap3A_873 = arith.constant 16 : index
        %swap3A_874 = tpu.vector_load %arg7[%swap3A_872, %swap3A_873] {strides = array<i32>} : memref<256x128xf32, #tpu.memory_space<vmem>>, vector<1x16xf32>,
        %swap3A_875 = vector.shape_cast %swap3A_874 : vector<1x16xf32> to vector<16xf32>
        %swap3A_876 = vector.shape_cast %add3A_871 : vector<16xf32> to vector<1x16xf32>
        tpu.vector_store %arg7[%swap3A_872, %swap3A_873], %swap3A_876 {strides = array<i32>} : memref<256x128xf32, #tpu.memory_space<vmem>>, vector<1x16xf32>,
        %get3A_877 = arith.index_cast %add3A_856 : i32 to index
        %get3A_878 = arith.constant 32 : index
        %get3A_879 = tpu.vector_load %arg7[%get3A_877, %get3A_878] {strides = array<i32>} : memref<256x128xf32, #tpu.memory_space<vmem>>, vector<1x16xf32>,
        %get3A_880 = vector.shape_cast %get3A_879 : vector<1x16xf32> to vector<16xf32>
        %add3A_881 = arith.addf %get3A_880, %get3A_154 : vector<16xf32>
        %swap3A_882 = arith.index_cast %add3A_856 : i32 to index
        %swap3A_883 = arith.constant 32 : index
        %swap3A_884 = tpu.vector_load %arg7[%swap3A_882, %swap3A_883] {strides = array<i32>} : memref<256x128xf32, #tpu.memory_space<vmem>>, vector<1x16xf32>,
        %swap3A_885 = vector.shape_cast %swap3A_884 : vector<1x16xf32> to vector<16xf32>
        %swap3A_886 = vector.shape_cast %add3A_881 : vector<16xf32> to vector<1x16xf32>
        tpu.vector_store %arg7[%swap3A_882, %swap3A_883], %swap3A_886 {strides = array<i32>} : memref<256x128xf32, #tpu.memory_space<vmem>>, vector<1x16xf32>,
        %get3A_887 = arith.index_cast %add3A_856 : i32 to index
        %get3A_888 = arith.constant 48 : index
        %get3A_889 = tpu.vector_load %arg7[%get3A_887, %get3A_888] {strides = array<i32>} : memref<256x128xf32, #tpu.memory_space<vmem>>, vector<1x16xf32>,
        %get3A_890 = vector.shape_cast %get3A_889 : vector<1x16xf32> to vector<16xf32>
        %add3A_891 = arith.addf %get3A_890, %get3A_161 : vector<16xf32>
        %swap3A_892 = arith.index_cast %add3A_856 : i32 to index
        %swap3A_893 = arith.constant 48 : index
        %swap3A_894 = tpu.vector_load %arg7[%swap3A_892, %swap3A_893] {strides = array<i32>} : memref<256x128xf32, #tpu.memory_space<vmem>>, vector<1x16xf32>,
        %swap3A_895 = vector.shape_cast %swap3A_894 : vector<1x16xf32> to vector<16xf32>
        %swap3A_896 = vector.shape_cast %add3A_891 : vector<16xf32> to vector<1x16xf32>
        tpu.vector_store %arg7[%swap3A_892, %swap3A_893], %swap3A_896 {strides = array<i32>} : memref<256x128xf32, #tpu.memory_space<vmem>>, vector<1x16xf32>,
      }
      %scan3A_113 = arith.constant 8 : i32
      %mul3A_114 = arith.constant 128 : i32
      %mul3A_115 = arith.muli %add3A_95, %mul3A_114 : i32
      %add3A_116 = arith.addi %mul3A_2, %mul3A_115 : i32
      %dma_start3A_117 = arith.constant 128 : i32
      %dma_start3A_118 = arith.constant 0 : i32
      %dma_start3A_119 = tpu.memref_slice %arg7[%dma_start3A_117, %dma_start3A_118] : memref<256x128xf32, #tpu.memory_space<vmem>> -> memref<128x64xf32, #tpu.memory_space<vmem>>
      %dma_start3A_120 = arith.constant 0 : i32
      %dma_start3A_121 = tpu.memref_slice %arg5[%add3A_116, %dma_start3A_120] : memref<32768x128xf32, #tpu.memory_space<hbm>> -> memref<128x64xf32, #tpu.memory_space<hbm>>
      %dma_start3A_122 = arith.constant 0 : i32
      %dma_start3A_123 = tpu.memref_slice %arg5[%add3A_116, %dma_start3A_122] : memref<32768x128xf32, #tpu.memory_space<hbm>> -> memref<128x64xf32, #tpu.memory_space<hbm>>
      %dma_start3A_124 = arith.constant 128 : i32
      %dma_start3A_125 = arith.constant 0 : i32
      %dma_start3A_126 = tpu.memref_slice %arg7[%dma_start3A_124, %dma_start3A_125] : memref<256x128xf32, #tpu.memory_space<vmem>> -> memref<128x64xf32, #tpu.memory_space<vmem>>
      tpu.enqueue_dma source(%dma_start3A_126 : memref<128x64xf32, #tpu.memory_space<vmem>>) target(%dma_start3A_123 : memref<128x64xf32, #tpu.memory_space<hbm>>) target_semaphore(%arg11 : memref<!tpu.dma_semaphore, #tpu.memory_space<semaphore_mem>>)
      %add3A_127 = arith.constant 2 : i32
      %add3A_128 = arith.addi %add3A_95, %add3A_127 : i32
      %lt3A_129 = arith.constant 8 : i32
      %lt3A_130 = arith.cmpi slt, %add3A_128, %lt3A_129 : i32
      %convert_element_type3A_131 = arith.extui %lt3A_130 : i1 to i32
      %cond3A_132 = arith.constant 0 : i32
      %cond3A_133 = arith.cmpi ne, %convert_element_type3A_131, %cond3A_132 : i32
      scf.if %cond3A_133 {
        %mul3A_134 = arith.constant 128 : i32
        %mul3A_135 = arith.muli %add3A_95, %mul3A_134 : i32
        %add3A_136 = arith.addi %mul3A_2, %mul3A_135 : i32
        %dma_wait3A_137 = arith.constant 128 : i32
        %dma_wait3A_138 = arith.constant 0 : i32
        %dma_wait3A_139 = tpu.memref_slice %arg7[%dma_wait3A_137, %dma_wait3A_138] : memref<256x128xf32, #tpu.memory_space<vmem>> -> memref<128x64xf32, #tpu.memory_space<vmem>>
        %dma_wait3A_140 = arith.constant 0 : i32
        %dma_wait3A_141 = tpu.memref_slice %arg5[%add3A_136, %dma_wait3A_140] : memref<32768x128xf32, #tpu.memory_space<hbm>> -> memref<128x64xf32, #tpu.memory_space<hbm>>
        %dma_wait3A_142 = arith.constant 0 : i32
        %dma_wait3A_143 = tpu.memref_slice %arg5[%add3A_136, %dma_wait3A_142] : memref<32768x128xf32, #tpu.memory_space<hbm>> -> memref<128x64xf32, #tpu.memory_space<hbm>>
        %dma_wait3A_144 = arith.constant 128 : i32
        %dma_wait3A_145 = arith.constant 0 : i32
        %dma_wait3A_146 = tpu.memref_slice %arg7[%dma_wait3A_144, %dma_wait3A_145] : memref<256x128xf32, #tpu.memory_space<vmem>> -> memref<128x64xf32, #tpu.memory_space<vmem>>
        tpu.wait_dma2 semaphore(%arg11 : memref<!tpu.dma_semaphore, #tpu.memory_space<semaphore_mem>>) src(%dma_wait3A_146 : memref<128x64xf32, #tpu.memory_space<vmem>>) dst(%dma_wait3A_143 : memref<128x64xf32, #tpu.memory_space<hbm>>)
        %add3A_147 = arith.constant 2 : i32
        %add3A_148 = arith.addi %add3A_95, %add3A_147 : i32
        %dma_start3A_149 = arith.constant 128 : i32
        %dma_start3A_150 = arith.constant 0 : i32
        %dma_start3A_151 = tpu.memref_slice %arg7[%dma_start3A_149, %dma_start3A_150] : memref<256x128xf32, #tpu.memory_space<vmem>> -> memref<128x128xf32, #tpu.memory_space<vmem>>
        %dma_start3A_152 = arith.constant 0 : i32
        %dma_start3A_153 = tpu.memref_slice %arg6[%add3A_148, %dma_start3A_152] : memref<8x128xi32, #tpu.memory_space<vmem>> -> memref<1x128xi32, #tpu.memory_space<vmem>>
        %dma_start3A_154 = tpu.memref_squeeze %dma_start3A_153 : memref<1x128xi32, #tpu.memory_space<vmem>> -> memref<128xi32, #tpu.memory_space<vmem>>
        %dma_start3A_155 = arith.constant 0 : i32
        %dma_start3A_156 = arith.constant 0 : i32
        %dma_start3A_157 = tpu.memref_slice %arg3[%dma_start3A_155, %dma_start3A_156] : memref<100000x128xf32, #tpu.memory_space<hbm>> -> memref<100000x128xf32, #tpu.memory_space<hbm>>
        tpu.enqueue_indirect_dma source(%dma_start3A_157 : memref<100000x128xf32, #tpu.memory_space<hbm>>) target(%dma_start3A_151 : memref<128x128xf32, #tpu.memory_space<vmem>>) offsets(%dma_start3A_154 : memref<128xi32, #tpu.memory_space<vmem>>) semaphore(%arg10 : memref<!tpu.dma_semaphore, #tpu.memory_space<semaphore_mem>>)
      } else {
      }
    }
    %scan3A_28 = arith.constant 4 : i32
    %add3A_29 = arith.constant 768 : i32
    %add3A_30 = arith.addi %mul3A_2, %add3A_29 : i32
    %dma_wait3A = arith.constant 0 : i32
    %dma_wait3A_31 = arith.constant 0 : i32
    %dma_wait3A_32 = tpu.memref_slice %arg7[%dma_wait3A, %dma_wait3A_31] : memref<256x128xf32, #tpu.memory_space<vmem>> -> memref<128x64xf32, #tpu.memory_space<vmem>>
    %dma_wait3A_33 = arith.constant 0 : i32
    %dma_wait3A_34 = tpu.memref_slice %arg5[%add3A_30, %dma_wait3A_33] : memref<32768x128xf32, #tpu.memory_space<hbm>> -> memref<128x64xf32, #tpu.memory_space<hbm>>
    %dma_wait3A_35 = arith.constant 0 : i32
    %dma_wait3A_36 = tpu.memref_slice %arg5[%add3A_30, %dma_wait3A_35] : memref<32768x128xf32, #tpu.memory_space<hbm>> -> memref<128x64xf32, #tpu.memory_space<hbm>>
    %dma_wait3A_37 = arith.constant 0 : i32
    %dma_wait3A_38 = arith.constant 0 : i32
    %dma_wait3A_39 = tpu.memref_slice %arg7[%dma_wait3A_37, %dma_wait3A_38] : memref<256x128xf32, #tpu.memory_space<vmem>> -> memref<128x64xf32, #tpu.memory_space<vmem>>
    tpu.wait_dma2 semaphore(%arg11 : memref<!tpu.dma_semaphore, #tpu.memory_space<semaphore_mem>>) src(%dma_wait3A_39 : memref<128x64xf32, #tpu.memory_space<vmem>>) dst(%dma_wait3A_36 : memref<128x64xf32, #tpu.memory_space<hbm>>)
    %add3A_40 = arith.constant 896 : i32
    %add3A_41 = arith.addi %mul3A_2, %add3A_40 : i32
    %dma_wait3A_42 = arith.constant 128 : i32
    %dma_wait3A_43 = arith.constant 0 : i32
    %dma_wait3A_44 = tpu.memref_slice %arg7[%dma_wait3A_42, %dma_wait3A_43] : memref<256x128xf32, #tpu.memory_space<vmem>> -> memref<128x64xf32, #tpu.memory_space<vmem>>
    %dma_wait3A_45 = arith.constant 0 : i32
    %dma_wait3A_46 = tpu.memref_slice %arg5[%add3A_41, %dma_wait3A_45] : memref<32768x128xf32, #tpu.memory_space<hbm>> -> memref<128x64xf32, #tpu.memory_space<hbm>>
    %dma_wait3A_47 = arith.constant 0 : i32
    %dma_wait3A_48 = tpu.memref_slice %arg5[%add3A_41, %dma_wait3A_47] : memref<32768x128xf32, #tpu.memory_space<hbm>> -> memref<128x64xf32, #tpu.memory_space<hbm>>
    %dma_wait3A_49 = arith.constant 128 : i32
    %dma_wait3A_50 = arith.constant 0 : i32
    %dma_wait3A_51 = tpu.memref_slice %arg7[%dma_wait3A_49, %dma_wait3A_50] : memref<256x128xf32, #tpu.memory_space<vmem>> -> memref<128x64xf32, #tpu.memory_space<vmem>>
    tpu.wait_dma2 semaphore(%arg11 : memref<!tpu.dma_semaphore, #tpu.memory_space<semaphore_mem>>) src(%dma_wait3A_51 : memref<128x64xf32, #tpu.memory_space<vmem>>) dst(%dma_wait3A_48 : memref<128x64xf32, #tpu.memory_space<hbm>>)
    return
  }
}

</mosaic_0001>

<sc_bundles>
// kernel: kernel.3.cloned.1.call-start
scs
__scs_entry_jumppad:
0x0: {  	(pc) =	sbr.rel $0x88, $3  }
0x1: {  	(tag) =	ssettag $0x0;
	lr =	simm.s32 $0x1  }
0x2: {  	[smem:$0x3F9F] =	sst lr;
	_ =	strace $0xD0000000  }
0x3: {  	_ = 	snop  }
0x4: {  	_ = 	snop  }
0x5: {  	_ = 	snop  }
0x6: {  	_ = 	snop  }
0x7: {  	_ = 	snop  }
__scs_overlays_trampoline_lowered:
0x8: {  	[smem:$0x3FAE] =	sst s0  }
0x9: {  	[smem:$0x3FAF] =	sst s1  }
0xa: {  	[smem:$0x3FB0] =	sst s2  }
0xb: {  	[smem:$0x3FB1] =	sst s3  }
0xc: {  	[smem:$0x3FB2] =	sst s4  }
0xd: {  	[smem:$0x3FB3] =	sst s5  }
0xe: {  	[smem:$0x3FB4] =	sst s6  }
0xf: {  	[smem:$0x3FB5] =	sst s7  }
0x10: {  	[smem:$0x3FB6] =	sst s8  }
0x11: {  	[smem:$0x3FB7] =	sst s9;
	s0 =	simm.s32 @!p0 $0x0  }
0x12: {  	s1 =	sld [smem:$0x3F9D];
	s0 =	simm.s32 @p0 $0x1  }
0x13: {  	[smem:$0x3FB8] =	sst s0;
	s0 =	simm.s32 @!p1 $0x0  }
0x14: {  	s2 =	sld [smem:$0x3F9C];
	s0 =	simm.s32 @p1 $0x1  }
0x15: {  	[smem:$0x3FB9] =	sst s0;
	s0 =	simm.s32 @!p2 $0x0  }
0x16: {  	s3 =	sld [smem:$0x3FDB];
	s0 =	simm.s32 @p2 $0x1  }
0x17: {  	s4 =	simm.s32 $0x1BF5;
	[smem:$0x3FBB] =	sst s0  }
0x18: {  	s0 =	sld [smem:$0x3F9E];
	_ =	swait.ge [sflag:s4], $0x0  }
0x19: {  	s7 =	sld [smem:$0x3F9F]  }
0x1a: {  	s8 =	sadd.s32 $0xFFFFE003, lr  }
0x1b: {  	s9 =	sadd.s32 $0xFFFFFEF7, lr;
	s5 =	simm.s32 $0xFFFFFFFF;
	p2 =	slt.u32 s8, $0xFFFFF086  }
0x1c: {  	p1 =	slt.u32 s9, $0xF7A;
	s5 =	simm.s32 @!p2 $0x0  }
0x1d: {  	s5 =	simm.s32 @p1 $0x1;
	p0 =	seq.s32 s7, s2  }
0x1e: {  	s7 =	smul.u32 @!p0 $0xF7A, s2;
	p2 =	seq.s32 @!p0 s5, $0x0  }
0x1f: {  	s9 =	smul.u32 $0xF7A, s1;
	s8 =	simm.s32 @!p0 $0x1BF5;
	p2 =	por !p2, p0  }
0x20: {  	[sflag:s8] =	ssyncset.s32 @!p0 $0xFFFFF086;
	s6 =	sadd.s32 @!p0 s3, s7;
	s7 =	simm.s32 @!p0 $0x108  }
0x21: {  	s3 =	sadd.s32 s3, s9;
	s6 =	sadd.s32 @!p0 $0x88, s6;
	s7 =	simm.s32 @p2 $0x1082  }
0x22: {  	[simem:s7], [sflag:s8] =	dma.local @!p0 [hbm:s6], $0xF7A  }
0x23: {  	s9 =	sor.u32 $0xD0000000, s2;
	s6 =	simm.s32 $0x108;
	_ =	swait.ge @!p0 [sflag:s8], $0x0  }
0x24: {  	s3 =	sadd.s32 $0x88, s3;
	s6 =	simm.s32 @!p1 $0x1082;
	[sflag:s4] =	ssyncset.s32 $0xFFFFF086  }
0x25: {  	[simem:s6], [sflag:s4] =	dma.local [hbm:s3], $0xF7A  }
0x26: {  	[smem:$0x3F9F] =	sst s1;
	(tag) =	ssettag s2;
	_ =	strace s9  }
0x27: {  	s1 =	sld [smem:$0x3FAF]  }
0x28: {  	s2 =	sld [smem:$0x3FB0]  }
0x29: {  	s4 =	sld [smem:$0x3FB2]  }
0x2a: {  	p0 =	seq.s32 s5, $0x0;
	s5 =	sld [smem:$0x3FB3]  }
0x2b: {  	s6 =	sld [smem:$0x3FB4]  }
0x2c: {  	s7 =	sld [smem:$0x3FB5]  }
0x2d: {  	s3 =	simm.s32 $0x108;
	s8 =	sld [smem:$0x3FB6]  }
0x2e: {  	s3 =	simm.s32 @!p0 $0x1082;
	s9 =	sld [smem:$0x3FB7]  }
0x2f: {  	lr =	sadd.s32 s0, s3;
	s0 =	sld [smem:$0x3FAE]  }
0x30: {  	s3 =	sld [smem:$0x3FB1]  }
0x31: {  	[smem:$0x3FBA] =	sst s10  }
0x32: {  	s10 =	sld [smem:$0x3FB8];
	_ =	sdelay $0x3  }
0x33: {  	p0 =	seq.s32 s10, $0x1;
	s10 =	sld [smem:$0x3FBA];
	_ =	sdelay $0x3  }
0x34: {  	[smem:$0x3FBA] =	sst s10  }
0x35: {  	s10 =	sld [smem:$0x3FB9];
	_ =	sdelay $0x3  }
0x36: {  	p1 =	seq.s32 s10, $0x1;
	s10 =	sld [smem:$0x3FBA];
	_ =	sdelay $0x3  }
0x37: {  	[smem:$0x3FBA] =	sst s10  }
0x38: {  	s10 =	sld [smem:$0x3FBB]  }
0x39: {  	_ = 	snop;
	(pc) =	sbr.ind lr, $3  }
0x3a: {  	_ = 	snop  }
0x3b: {  	_ = 	snop  }
0x3c: {  	p2 =	seq.s32 s10, $0x1;
	s10 =	sld [smem:$0x3FBA]  }
0x3d: {  	_ =	shalt  }
0x3e: {  	_ =	shalt  }
0x3f: {  	_ =	shalt  }
0x40: {  	_ =	shalt  }
0x41: {  	_ =	shalt  }
0x42: {  	_ =	shalt  }
0x43: {  	_ =	shalt  }
0x44: {  	_ =	shalt  }
0x45: {  	_ =	shalt  }
0x46: {  	_ =	shalt  }
0x47: {  	_ =	shalt  }
0x48: {  	_ =	shalt  }
0x49: {  	_ =	shalt  }
0x4a: {  	_ =	shalt  }
0x4b: {  	_ =	shalt  }
0x4c: {  	_ =	shalt  }
0x4d: {  	_ =	shalt  }
0x4e: {  	_ =	shalt  }
0x4f: {  	_ =	shalt  }
0x50: {  	_ =	shalt  }
0x51: {  	_ =	shalt  }
0x52: {  	_ =	shalt  }
0x53: {  	_ =	shalt  }
0x54: {  	_ =	shalt  }
0x55: {  	_ =	shalt  }
0x56: {  	_ =	shalt  }
0x57: {  	_ =	shalt  }
0x58: {  	_ =	shalt  }
0x59: {  	_ =	shalt  }
0x5a: {  	_ =	shalt  }
0x5b: {  	_ =	shalt  }
0x5c: {  	_ =	shalt  }
0x5d: {  	_ =	shalt  }
0x5e: {  	_ =	shalt  }
0x5f: {  	_ =	shalt  }
0x60: {  	_ =	shalt  }
0x61: {  	_ =	shalt  }
0x62: {  	_ =	shalt  }
0x63: {  	_ =	shalt  }
0x64: {  	_ =	shalt  }
0x65: {  	_ =	shalt  }
0x66: {  	_ =	shalt  }
0x67: {  	_ =	shalt  }
0x68: {  	_ =	shalt  }
0x69: {  	_ =	shalt  }
0x6a: {  	_ =	shalt  }
0x6b: {  	_ =	shalt  }
0x6c: {  	_ =	shalt  }
0x6d: {  	_ =	shalt  }
0x6e: {  	_ =	shalt  }
0x6f: {  	_ =	shalt  }
0x70: {  	_ =	shalt  }
0x71: {  	_ =	shalt  }
0x72: {  	_ =	shalt  }
0x73: {  	_ =	shalt  }
0x74: {  	_ =	shalt  }
0x75: {  	_ =	shalt  }
0x76: {  	_ =	shalt  }
0x77: {  	_ =	shalt  }
0x78: {  	_ =	shalt  }
0x79: {  	_ =	shalt  }
0x7a: {  	_ =	shalt  }
0x7b: {  	_ =	shalt  }
0x7c: {  	_ =	shalt  }
0x7d: {  	_ =	shalt  }
0x7e: {  	_ =	shalt  }
0x7f: {  	_ =	shalt  }
0x80: {  	_ =	shalt  }
0x81: {  	_ =	shalt  }
0x82: {  	_ =	shalt  }
0x83: {  	_ =	shalt  }
0x84: {  	_ =	shalt  }
0x85: {  	_ =	shalt  }
0x86: {  	_ =	shalt  }
0x87: {  	_ =	shalt  }
.Lfunc_end0:
.L_simem_size_0:
called_computation_lowered:
.L_overlay_start_0:
0x88: {  	s2 =	sld [smem:$0x3FD9]  }
0x89: {  	s3 =	sld [smem:$0x3FFE];
	_ =	sdelay $0x1  }
0x8a: {  	s1 =	srdreg.scid  }
0x8b: {  	s0 =	sand.u32 $0x1, s1  }
0x8c: {  	s17 =	sshll.u32 s0, $0xA;
	s2 =	sadd.s32 s3, s2  }
0x8d: {  	s2 =	sadd.s32 s2, s17  }
0x8e: {  	[smem:$0x3FC6] =	sst s2  }
0x8f: {  	_ = 	snop  }
0x90: {  	s2 =	sld [smem:$0x3FD0];
	(tm) =	ssettm $0x1  }
0x91: {  	s18 =	sld [smem:$0x3FFB];
	_ =	sdelay $0x3  }
0x92: {  	_ =	strace s18  }
0x93: {  	s3 =	sld [smem:$0x3FFC];
	_ =	sdelay $0x3  }
0x94: {  	_ =	strace s3  }
0x95: {  	s3 =	sld [smem:$0x3FFD];
	_ =	sdelay $0x3  }
0x96: {  	_ =	strace s3  }
0x97: {  	_ =	strace $0x8FFFFFFF  }
0x98: {  	s19 =	sld [smem:$0x3FDB];
	_ =	sdelay $0x1  }
0x99: {  	s4 =	simm.s32 $_scs_section_size  }
0x9a: {  	s5 =	simm.s32 $_size__tile_overlayer_lowered;
	s6 =	simm.s32 $_tile_overlayer_lowered  }
0x9b: {  	s22 =	simm.s32 $0x1BFF;
	s21 =	sshll.u32 s6, $0x1;
	s3 =	sadd.s32 s4, s19  }
0x9c: {  	s7 =	simm.s32 $0x0;
	s20 =	sshll.u32 s5, $0x1;
	s5 =	sadd.s32 s21, s3  }
0x9d: {  	[timem:s7], [sflag:s22] =	dma.local [hbm:s5], s20  }
0x9e: {  	_ =	swait.ge [sflag:s22], s20  }
0x9f: {  	s4 =	ssub.s32 $0x0, s20;
	[sflag:s22] =	ssyncset.done $0x0  }
0xa0: {  	[sflag:s22] =	ssyncadd.s32 s4;
	_ =	sdelay $0x1  }
0xa1: {  	s23 =	simm.s32 $0x1B8B  }
0xa2: {  	_ =	swait.ge [sflag:s23], $0x1  }
0xa3: {  	[sflag:s23] =	ssyncset.done $0x0  }
0xa4: {  	s25 =	simm.s32 $0x1B8E;
	s24 =	sld [smem:$0x3FFE];
	[sflag:s23] =	ssyncadd.s32 $0xFFFFFFFF  }
0xa5: {  	s26 =	simm.s32 $execute0_lowered;
	[smem:$0x3FD2] =	sst s25  }
0xa6: {  	s5 =	sshll.u32 s26, $0x1;
	_ =	strace $0x80000046;
	[dreg:$0x1] =	wrdreg $0xFFFFFFFF  }
0xa7: {  	s28 =	simm.s32 $_size_execute0_lowered;
	s3 =	sadd.s32 s3, s5;
	[dreg:$0x0] =	wrdreg $0x0  }
0xa8: {  	s5 =	sshll.u32 s28, $0x1;
	[dreg:$0x2] =	wrdreg s3  }
0xa9: {  	[dreg:$0x3] =	wrdreg s5  }
0xaa: {  	[dreg:$0x4] =	wrdreg $0xC0  }
0xab: {  	_ =	task [dreg:s7], $0x5FFFF  }
0xac: {  	[dreg:$0x1] =	wrdreg $0xFFFFFFFF  }
0xad: {  	[dreg:$0x0] =	wrdreg $0x60  }
0xae: {  	[dreg:$0x2] =	wrdreg s24  }
0xaf: {  	[dreg:$0x3] =	wrdreg s2  }
0xb0: {  	[dreg:$0x4] =	wrdreg $0x9  }
0xb1: {  	_ =	task.clear_ibuf [dreg:s7], $0x5FFFF;
	_ =	strace $0x90000046  }
0xb2: {  	s29 =	simm.s32 $0x9;
	_ =	strace $0x80000048  }
0xb3: {  	_ =	swait.ge [sflag:s29], $0x1  }
0xb4: {  	[sflag:s29] =	ssyncadd.s32 $0xFFFFFFFF  }
0xb5: {  	_ =	strace $0x90000048  }
0xb6: {  	_ =	sfence  }
0xb7: {  	s30 =	sld [smem:$0x0];
	_ =	sdelay $0x2  }
0xb8: {  	s31 =	sshll.u32 s1, $0xD;
	s1 =	sshrl.u32 s1, $0x2  }
0xb9: {  	s3 =	sand.u32 $0x4000, s31;
	s1 =	sadd.s32 s1, s30  }
0xba: {  	s0 =	sor.u32 s3, s0;
	s1 =	sshll.u32 s1, $0x11  }
0xbb: {  	s0 =	sor.u32 s1, s0  }
0xbc: {  	s0 =	sadd.s32 $0x8F2B, s0  }
0xbd: {  	[sflag:s0] =	ssyncadd.remote.s32 $0x1  }
0xbe: {  	_ =	sfence.sel $0xFFFF  }
0xbf: {  	[dreg:$0x0] =	wrdreg $0xFFFFFFFF;
	(pc) =	sbr.abs _section_cstart, $3  }
0xc0: {  	[dreg:$0x1] =	wrdreg $0xFFFFFFFF  }
0xc1: {  	_ =	task.clear_ibuf [dreg:s7], $0x2FFFF;
	_ =	strace $0x9FFFFFFF  }
0xc2: {  	(tm) =	ssettm $0x7FFFFFFF  }
0xc3: {  	_ =	shalt  }
tec
execute0_lowered:
.L_overlay_start_1:
0x0: {  	(tag) =	ssettag $0x1  }
0x1: {  	s4 =	rddreg [dreg:$0x0]  }
0x2: {  	s1 =	srdreg.scid;
	s0 =	stileid.u32  }
0x3: {  	s5 =	rddreg [dreg:$0x1];
	s2 =	simm.s32 $0x0;
	s11 =	simm.s32 $0x4400  }
0x4: {  	s12 =	simm.s32 $0x1;
	s13 =	simm.s32 $0x2;
	s14 =	simm.s32 $0x3  }
0x5: {  	s3 =	sand.u32 $0x1, s1;
	s6 =	sshll.u32 s0, $0x1;
	s1 =	rddreg [dreg:$0x2]  }
0x6: {  	s15 =	simm.s32 $0x0;
	[smem:$0x7FF] =	sst s2;
	s6 =	sor.u32 s3, s6  }
0x7: {  	_ =	strace $0x80000047;
	s8 =	ssub.s32 $0x2, s3;
	s3 =	sadd.s32 $0x188200, s4  }
.Ltmp0:
0x8: {  	s7 =	sshll.u32 s6, $0x7;
	s9 =	sshll.u32 s6, $0xE;
	(pc) =	sbr.rel .LBB2_1-.Ltmp0, $4  }
0x9: {  	s10 =	sshrl.u32 s8, $0x1;
	s6 =	sshll.u32 s6, $0x9;
	s7 =	sadd.s32 s7, s4  }
0xa: {  	s9 =	sadd.s32 s9, s4;
	s8 =	ssub.s32 s8, s10;
	s5 =	sadd.s32 s5, s6  }
0xb: {  	s10 =	simm.s32 $0x400;
	s4 =	sadd.s32 $0x187200, s7;
	s6 =	sadd.s32 $0x800, s9  }
0xc: {  	s7 =	smax.u32 s8, $0x1;
	s8 =	simm.s32 $0x4;
	s9 =	simm.s32 $0x80  }
.LBB2_12:
0xd: {  	s15 =	sadd.s32 $0x1, s15  }
0xe: {  	p0 =	sne.s32 s15, s7  }
.Ltmp1:
0xf: {  	_ = 	snop;
	(pc) =	sbr.rel @!p0 .LBB2_13-.Ltmp1, $4  }
0x10: {  	_ = 	snop  }
0x11: {  	_ =	swait.ge [sflag:s14], $0x2000  }
0x12: {  	[sflag:s14] =	ssyncset.done $0x0  }
0x13: {  	[sflag:s14] =	ssyncadd.s32 $0xFFFFE000  }
.LBB2_1:
0x14: {  	[tilespmem:s2], [sflag:$0x4] =	stream.linear.gather [hbm4b:s4+s2], $0x400, $0x38;
	[tilespmem:$0x9400] =	vst v63  }
0x15: {  	_ =	swait.ge [sflag:s8], $0x400  }
0x16: {  	[sflag:s8] =	ssyncset.done $0x0  }
0x17: {  	[sflag:s8] =	ssyncadd.s32 $0xFFFFFC00  }
0x18: {  	[tilespmem:s10], [sflag:$0x1] =	stream.indirect.gather [hbm4b:s3+s9], $0x80, s2, s9, $0xb8;
	[tilespmem:$0x9400] =	vst v63  }
0x19: {  	_ = 	snop  }
0x1a: {  	[tilespmem:s11], [sflag:$0x2] =	stream.indirect.gather [hbm4b:s3+s9], $0x80, s9, s9, $0xb8;
	[tilespmem:$0x9400] =	vst v63  }
0x1b: {  	s16 =	simm.s32 $0x8400  }
0x1c: {  	[tilespmem:s16], [sflag:$0x4] =	stream.linear.gather [hbm4b:s5+s2], $0x1000, $0x38;
	[tilespmem:$0x9400] =	vst v63  }
0x1d: {  	_ =	swait.ge [sflag:s8], $0x1000  }
0x1e: {  	[sflag:s8] =	ssyncset.done $0x0  }
0x1f: {  	s17 =	simm.s32 $0x8630;
	s18 =	simm.s32 $0x0;
	[sflag:s8] =	ssyncadd.s32 $0xFFFFF000  }
.LBB2_2:
0x20: {  	_ =	swait.ge [sflag:s12], $0x4000  }
0x21: {  	[sflag:s12] =	ssyncset.done $0x0  }
0x22: {  	s19 =	simm.s32 $0x800;
	[sflag:s12] =	ssyncadd.s32 $0xFFFFC000  }
0x23: {  	v0 =	vmov s16;
	v6 =	vld [tilespmem:s19+$0x3B0]  }
0x24: {  	v7 =	vld [tilespmem:s19+$0x390]  }
0x25: {  	v1 =	vld [tilespmem:s19+$0x3A0]  }
0x26: {  	v8 =	vld [tilespmem:s19+$0x380]  }
0x27: {  	s20 =	simm.s32 $0x0;
	v9 =	vld [tilespmem:s19+$0x330]  }
0x28: {  	v5 =	vld.idx.msk [tilespmem:v0+s20+$0x30 ss:$0x1], $0xffff  }
0x29: {  	v4 =	vld.idx.msk [tilespmem:v0+s20+$0x10 ss:$0x1], $0xffff  }
0x2a: {  	v3 =	vld.idx.msk [tilespmem:v0+s20+$0x0 ss:$0x1], $0xffff  }
0x2b: {  	v10 =	vld [tilespmem:s19+$0x320]  }
0x2c: {  	v2 =	vld.idx.msk [tilespmem:v0+s20+$0x20 ss:$0x1], $0xffff  }
0x2d: {  	v11 =	vld [tilespmem:s19+$0x310];
	v6 =	vadd.f32 v6, v5  }
0x2e: {  	v12 =	vld [tilespmem:s19+$0x300];
	v7 =	vadd.f32 v7, v4  }
0x2f: {  	v13 =	vld [tilespmem:s19+$0x2B0];
	v8 =	vadd.f32 v8, v3;
	[tilespmem:s19+$0x3B0] =	vst v6  }
0x30: {  	v56 =	vld [tilespmem:s19+$0x2A0];
	v9 =	vadd.f32 v9, v5;
	[tilespmem:s19+$0x390] =	vst v7  }
0x31: {  	v57 =	vld [tilespmem:s19+$0x290];
	v10 =	vadd.f32 v10, v2;
	[tilespmem:s19+$0x380] =	vst v8  }
0x32: {  	v58 =	vld [tilespmem:s19+$0x280];
	v11 =	vadd.f32 v11, v4;
	[tilespmem:s19+$0x330] =	vst v9  }
0x33: {  	v59 =	vld [tilespmem:s19+$0x230];
	v12 =	vadd.f32 v12, v3;
	[tilespmem:s19+$0x320] =	vst v10  }
0x34: {  	v60 =	vld [tilespmem:s19+$0x220];
	v13 =	vadd.f32 v13, v5;
	[tilespmem:s19+$0x310] =	vst v11  }
0x35: {  	v61 =	vld [tilespmem:s19+$0x210];
	v6 =	vadd.f32 v56, v2;
	[tilespmem:s19+$0x300] =	vst v12  }
0x36: {  	v62 =	vld [tilespmem:s19+$0x200];
	v7 =	vadd.f32 v57, v4;
	[tilespmem:s19+$0x2B0] =	vst v13  }
0x37: {  	v63 =	vld [tilespmem:s19+$0x1B0];
	v8 =	vadd.f32 v58, v3;
	[tilespmem:s19+$0x2A0] =	vst v6  }
0x38: {  	v16 =	vld [tilespmem:s19+$0x1A0];
	v9 =	vadd.f32 v59, v5;
	[tilespmem:s19+$0x290] =	vst v7  }
0x39: {  	v17 =	vld [tilespmem:s19+$0x190];
	v10 =	vadd.f32 v60, v2;
	[tilespmem:s19+$0x280] =	vst v8  }
0x3a: {  	v18 =	vld [tilespmem:s19+$0x180];
	v11 =	vadd.f32 v61, v4;
	[tilespmem:s19+$0x230] =	vst v9  }
0x3b: {  	v19 =	vld [tilespmem:s19+$0x130];
	v12 =	vadd.f32 v62, v3;
	[tilespmem:s19+$0x220] =	vst v10  }
0x3c: {  	v20 =	vld [tilespmem:s19+$0x120];
	v13 =	vadd.f32 v63, v5;
	[tilespmem:s19+$0x210] =	vst v11  }
0x3d: {  	v21 =	vld [tilespmem:s19+$0x110];
	v6 =	vadd.f32 v16, v2;
	[tilespmem:s19+$0x200] =	vst v12  }
0x3e: {  	v22 =	vld [tilespmem:s19+$0x100];
	v7 =	vadd.f32 v17, v4;
	[tilespmem:s19+$0x1B0] =	vst v13  }
0x3f: {  	v23 =	vld [tilespmem:s19+$0xB0];
	v8 =	vadd.f32 v18, v3;
	[tilespmem:s19+$0x1A0] =	vst v6  }
0x40: {  	v24 =	vld [tilespmem:s19+$0xA0];
	v9 =	vadd.f32 v19, v5;
	[tilespmem:s19+$0x190] =	vst v7  }
0x41: {  	v25 =	vld [tilespmem:s19+$0x90];
	v10 =	vadd.f32 v20, v2;
	[tilespmem:s19+$0x180] =	vst v8  }
0x42: {  	v26 =	vld [tilespmem:s19+$0x80];
	v11 =	vadd.f32 v21, v4;
	[tilespmem:s19+$0x130] =	vst v9  }
0x43: {  	v27 =	vld [tilespmem:s19+$0x30];
	v12 =	vadd.f32 v22, v3;
	[tilespmem:s19+$0x120] =	vst v10  }
0x44: {  	v28 =	vld [tilespmem:s19+$0x20];
	v13 =	vadd.f32 v23, v5;
	[tilespmem:s19+$0x110] =	vst v11  }
0x45: {  	v29 =	vld [tilespmem:s19+$0x10];
	v6 =	vadd.f32 v24, v2;
	[tilespmem:s19+$0x100] =	vst v12  }
0x46: {  	v30 =	vld [tilespmem:s19+$0x0];
	v7 =	vadd.f32 v25, v4;
	[tilespmem:s19+$0xB0] =	vst v13  }
0x47: {  	v31 =	vld [tilespmem:s19+$0xFFFFFFB0];
	v8 =	vadd.f32 v26, v3;
	[tilespmem:s19+$0xA0] =	vst v6  }
0x48: {  	v60 =	vld [tilespmem:s19+$0xFFFFFC20];
	v9 =	vadd.f32 v27, v5;
	[tilespmem:s19+$0x90] =	vst v7  }
0x49: {  	v32 =	vld [tilespmem:s19+$0xFFFFFFA0];
	v10 =	vadd.f32 v28, v2;
	[tilespmem:s19+$0x80] =	vst v8  }
0x4a: {  	v33 =	vld [tilespmem:s19+$0xFFFFFF90];
	v11 =	vadd.f32 v29, v4;
	[tilespmem:s19+$0x30] =	vst v9  }
0x4b: {  	v34 =	vld [tilespmem:s19+$0xFFFFFF80];
	v12 =	vadd.f32 v30, v3;
	[tilespmem:s19+$0x20] =	vst v10  }
0x4c: {  	v35 =	vld [tilespmem:s19+$0xFFFFFF30];
	v13 =	vadd.f32 v31, v5;
	[tilespmem:s19+$0x10] =	vst v11  }
0x4d: {  	v36 =	vld [tilespmem:s19+$0xFFFFFF20];
	v63 =	vadd.f32 v60, v2;
	[tilespmem:s19+$0x0] =	vst v12  }
0x4e: {  	v37 =	vld [tilespmem:s19+$0xFFFFFF10];
	v6 =	vadd.f32 v32, v2;
	[tilespmem:s19+$0xFFFFFFB0] =	vst v13  }
0x4f: {  	v38 =	vld [tilespmem:s19+$0xFFFFFF00];
	v7 =	vadd.f32 v33, v4;
	[tilespmem:s19+$0xFFFFFC20] =	vst v63  }
0x50: {  	v39 =	vld [tilespmem:s19+$0xFFFFFEB0];
	v8 =	vadd.f32 v34, v3;
	[tilespmem:s19+$0xFFFFFFA0] =	vst v6  }
0x51: {  	v40 =	vld [tilespmem:s19+$0xFFFFFEA0];
	v9 =	vadd.f32 v35, v5;
	[tilespmem:s19+$0xFFFFFF90] =	vst v7  }
0x52: {  	v41 =	vld [tilespmem:s19+$0xFFFFFE90];
	v10 =	vadd.f32 v36, v2;
	[tilespmem:s19+$0xFFFFFF80] =	vst v8  }
0x53: {  	v42 =	vld [tilespmem:s19+$0xFFFFFE80];
	v11 =	vadd.f32 v37, v4;
	[tilespmem:s19+$0xFFFFFF30] =	vst v9  }
0x54: {  	v43 =	vld [tilespmem:s19+$0xFFFFFE30];
	v12 =	vadd.f32 v38, v3;
	[tilespmem:s19+$0xFFFFFF20] =	vst v10  }
0x55: {  	v44 =	vld [tilespmem:s19+$0xFFFFFE20];
	v13 =	vadd.f32 v39, v5;
	[tilespmem:s19+$0xFFFFFF10] =	vst v11  }
0x56: {  	v45 =	vld [tilespmem:s19+$0xFFFFFE10];
	v6 =	vadd.f32 v40, v2;
	[tilespmem:s19+$0xFFFFFF00] =	vst v12  }
0x57: {  	v46 =	vld [tilespmem:s19+$0xFFFFFE00];
	v7 =	vadd.f32 v41, v4;
	[tilespmem:s19+$0xFFFFFEB0] =	vst v13  }
0x58: {  	v47 =	vld [tilespmem:s19+$0xFFFFFDB0];
	v8 =	vadd.f32 v42, v3;
	[tilespmem:s19+$0xFFFFFEA0] =	vst v6  }
0x59: {  	v48 =	vld [tilespmem:s19+$0xFFFFFDA0];
	v9 =	vadd.f32 v43, v5;
	[tilespmem:s19+$0xFFFFFE90] =	vst v7  }
0x5a: {  	v49 =	vld [tilespmem:s19+$0xFFFFFD90];
	v10 =	vadd.f32 v44, v2;
	[tilespmem:s19+$0xFFFFFE80] =	vst v8  }
0x5b: {  	v50 =	vld [tilespmem:s19+$0xFFFFFD80];
	v11 =	vadd.f32 v45, v4;
	[tilespmem:s19+$0xFFFFFE30] =	vst v9  }
0x5c: {  	v51 =	vld [tilespmem:s19+$0xFFFFFD30];
	v12 =	vadd.f32 v46, v3;
	[tilespmem:s19+$0xFFFFFE20] =	vst v10  }
0x5d: {  	v52 =	vld [tilespmem:s19+$0xFFFFFD20];
	v13 =	vadd.f32 v47, v5;
	[tilespmem:s19+$0xFFFFFE10] =	vst v11  }
0x5e: {  	v53 =	vld [tilespmem:s19+$0xFFFFFD10];
	v6 =	vadd.f32 v48, v2;
	[tilespmem:s19+$0xFFFFFE00] =	vst v12  }
0x5f: {  	v54 =	vld [tilespmem:s19+$0xFFFFFD00];
	v7 =	vadd.f32 v49, v4;
	[tilespmem:s19+$0xFFFFFDB0] =	vst v13  }
0x60: {  	v55 =	vld [tilespmem:s19+$0xFFFFFCB0];
	v8 =	vadd.f32 v50, v3;
	[tilespmem:s19+$0xFFFFFDA0] =	vst v6  }
0x61: {  	v59 =	vld [tilespmem:s19+$0xFFFFFC30];
	v9 =	vadd.f32 v51, v5;
	[tilespmem:s19+$0xFFFFFD90] =	vst v7  }
0x62: {  	v56 =	vld [tilespmem:s19+$0xFFFFFCA0];
	v10 =	vadd.f32 v52, v2;
	[tilespmem:s19+$0xFFFFFD80] =	vst v8  }
0x63: {  	v57 =	vld [tilespmem:s19+$0xFFFFFC90];
	v11 =	vadd.f32 v53, v4;
	[tilespmem:s19+$0xFFFFFD30] =	vst v9  }
0x64: {  	v58 =	vld [tilespmem:s19+$0xFFFFFC80];
	v12 =	vadd.f32 v54, v3;
	[tilespmem:s19+$0xFFFFFD20] =	vst v10  }
0x65: {  	v61 =	vld [tilespmem:s19+$0xFFFFFC10];
	v13 =	vadd.f32 v55, v5;
	[tilespmem:s19+$0xFFFFFD10] =	vst v11  }
0x66: {  	v62 =	vld [tilespmem:s19+$0xFFFFFC00];
	v5 =	vadd.f32 v59, v5;
	[tilespmem:s19+$0xFFFFFD00] =	vst v12  }
0x67: {  	v6 =	vadd.f32 v56, v2;
	[tilespmem:s19+$0xFFFFFCB0] =	vst v13  }
0x68: {  	v7 =	vadd.f32 v57, v4;
	[tilespmem:s19+$0xFFFFFC30] =	vst v5  }
0x69: {  	v8 =	vadd.f32 v58, v3;
	[tilespmem:s19+$0xFFFFFCA0] =	vst v6  }
0x6a: {  	v4 =	vadd.f32 v61, v4;
	[tilespmem:s19+$0xFFFFFC90] =	vst v7  }
0x6b: {  	v1 =	vadd.f32 v1, v2;
	v2 =	vadd.f32 v62, v3;
	[tilespmem:s19+$0xFFFFFC80] =	vst v8  }
0x6c: {  	s21 =	simm.s32 $0x100;
	s22 =	simm.s32 $0x1000;
	s20 =	sshll.u32 s18, $0xC;
	[tilespmem:s19+$0xFFFFFC10] =	vst v4  }
.LBB2_3:
0x6d: {  	s23 =	sshra.s32 s21, $0x2;
	v6 =	vld [tilespmem:s22+$0x3B0];
	p0 =	sne.s32 s21, $0x700;
	s21 =	sadd.s32 $0x100, s21;
	[tilespmem:s19+$0xFFFFFC00] =	vst v2  }
0x6e: {  	v7 =	vld [tilespmem:s22+$0x390];
	[tilespmem:s19+$0x3A0] =	vst v1;
	s19 =	smov.u32 s22  }
0x6f: {  	v1 =	vld [tilespmem:s22+$0x3A0]  }
0x70: {  	v5 =	vld.idx.msk [tilespmem:v0+s23+$0x30 ss:$0x1], $0xffff  }
0x71: {  	v4 =	vld.idx.msk [tilespmem:v0+s23+$0x20 ss:$0x1], $0xffff  }
0x72: {  	v3 =	vld.idx.msk [tilespmem:v0+s23+$0x10 ss:$0x1], $0xffff  }
0x73: {  	v2 =	vld.idx.msk [tilespmem:v0+s23+$0x0 ss:$0x1], $0xffff  }
0x74: {  	v8 =	vld [tilespmem:s22+$0x380]  }
0x75: {  	v9 =	vld [tilespmem:s22+$0x330]  }
0x76: {  	v10 =	vld [tilespmem:s22+$0x320]  }
0x77: {  	v6 =	vadd.f32 v6, v5;
	v1 =	vadd.f32 v1, v4;
	v11 =	vld [tilespmem:s22+$0x310]  }
0x78: {  	v7 =	vadd.f32 v7, v3;
	v12 =	vld [tilespmem:s22+$0x300]  }
0x79: {  	v13 =	vld [tilespmem:s22+$0x2B0];
	v8 =	vadd.f32 v8, v2;
	[tilespmem:s22+$0x3B0] =	vst v6  }
0x7a: {  	v6 =	vld [tilespmem:s22+$0x2A0];
	v9 =	vadd.f32 v9, v5;
	[tilespmem:s22+$0x390] =	vst v7  }
0x7b: {  	v7 =	vld [tilespmem:s22+$0x290];
	v10 =	vadd.f32 v10, v4;
	[tilespmem:s22+$0x380] =	vst v8  }
0x7c: {  	v8 =	vld [tilespmem:s22+$0x280];
	v11 =	vadd.f32 v11, v3;
	[tilespmem:s22+$0x330] =	vst v9  }
0x7d: {  	v9 =	vld [tilespmem:s22+$0x230];
	v12 =	vadd.f32 v12, v2;
	[tilespmem:s22+$0x320] =	vst v10  }
0x7e: {  	v10 =	vld [tilespmem:s22+$0x220];
	v13 =	vadd.f32 v13, v5;
	[tilespmem:s22+$0x310] =	vst v11  }
0x7f: {  	v11 =	vld [tilespmem:s22+$0x210];
	v6 =	vadd.f32 v6, v4;
	[tilespmem:s22+$0x300] =	vst v12  }
0x80: {  	v12 =	vld [tilespmem:s22+$0x200];
	v7 =	vadd.f32 v7, v3;
	[tilespmem:s22+$0x2B0] =	vst v13  }
0x81: {  	v13 =	vld [tilespmem:s22+$0x1B0];
	v8 =	vadd.f32 v8, v2;
	[tilespmem:s22+$0x2A0] =	vst v6  }
0x82: {  	v6 =	vld [tilespmem:s22+$0x1A0];
	v9 =	vadd.f32 v9, v5;
	[tilespmem:s22+$0x290] =	vst v7  }
0x83: {  	v7 =	vld [tilespmem:s22+$0x190];
	v10 =	vadd.f32 v10, v4;
	[tilespmem:s22+$0x280] =	vst v8  }
0x84: {  	v8 =	vld [tilespmem:s22+$0x180];
	v11 =	vadd.f32 v11, v3;
	[tilespmem:s22+$0x230] =	vst v9  }
0x85: {  	v9 =	vld [tilespmem:s22+$0x130];
	v12 =	vadd.f32 v12, v2;
	[tilespmem:s22+$0x220] =	vst v10  }
0x86: {  	v10 =	vld [tilespmem:s22+$0x120];
	v13 =	vadd.f32 v13, v5;
	[tilespmem:s22+$0x210] =	vst v11  }
0x87: {  	v11 =	vld [tilespmem:s22+$0x110];
	v6 =	vadd.f32 v6, v4;
	[tilespmem:s22+$0x200] =	vst v12  }
0x88: {  	v12 =	vld [tilespmem:s22+$0x100];
	v7 =	vadd.f32 v7, v3;
	[tilespmem:s22+$0x1B0] =	vst v13  }
0x89: {  	v13 =	vld [tilespmem:s22+$0xB0];
	v8 =	vadd.f32 v8, v2;
	[tilespmem:s22+$0x1A0] =	vst v6  }
0x8a: {  	v6 =	vld [tilespmem:s22+$0xA0];
	v9 =	vadd.f32 v9, v5;
	[tilespmem:s22+$0x190] =	vst v7  }
0x8b: {  	v7 =	vld [tilespmem:s22+$0x90];
	v10 =	vadd.f32 v10, v4;
	[tilespmem:s22+$0x180] =	vst v8  }
0x8c: {  	v8 =	vld [tilespmem:s22+$0x80];
	v11 =	vadd.f32 v11, v3;
	[tilespmem:s22+$0x130] =	vst v9  }
0x8d: {  	v9 =	vld [tilespmem:s22+$0x30];
	v12 =	vadd.f32 v12, v2;
	[tilespmem:s22+$0x120] =	vst v10  }
0x8e: {  	v10 =	vld [tilespmem:s22+$0x20];
	v13 =	vadd.f32 v13, v5;
	[tilespmem:s22+$0x110] =	vst v11  }
0x8f: {  	v11 =	vld [tilespmem:s22+$0x10];
	v6 =	vadd.f32 v6, v4;
	[tilespmem:s22+$0x100] =	vst v12  }
0x90: {  	v12 =	vld [tilespmem:s22+$0x0];
	v7 =	vadd.f32 v7, v3;
	[tilespmem:s22+$0xB0] =	vst v13  }
0x91: {  	v13 =	vld [tilespmem:s22+$0xFFFFFFB0];
	v8 =	vadd.f32 v8, v2;
	[tilespmem:s22+$0xA0] =	vst v6  }
0x92: {  	v6 =	vld [tilespmem:s22+$0xFFFFFFA0];
	v9 =	vadd.f32 v9, v5;
	[tilespmem:s22+$0x90] =	vst v7  }
0x93: {  	v7 =	vld [tilespmem:s22+$0xFFFFFF90];
	v10 =	vadd.f32 v10, v4;
	[tilespmem:s22+$0x80] =	vst v8  }
0x94: {  	v8 =	vld [tilespmem:s22+$0xFFFFFF80];
	v11 =	vadd.f32 v11, v3;
	[tilespmem:s22+$0x30] =	vst v9  }
0x95: {  	v9 =	vld [tilespmem:s22+$0xFFFFFF30];
	v12 =	vadd.f32 v12, v2;
	[tilespmem:s22+$0x20] =	vst v10  }
0x96: {  	v10 =	vld [tilespmem:s22+$0xFFFFFF20];
	v13 =	vadd.f32 v13, v5;
	[tilespmem:s22+$0x10] =	vst v11  }
0x97: {  	v11 =	vld [tilespmem:s22+$0xFFFFFF10];
	v6 =	vadd.f32 v6, v4;
	[tilespmem:s22+$0x0] =	vst v12  }
0x98: {  	v12 =	vld [tilespmem:s22+$0xFFFFFF00];
	v7 =	vadd.f32 v7, v3;
	[tilespmem:s22+$0xFFFFFFB0] =	vst v13  }
0x99: {  	v13 =	vld [tilespmem:s22+$0xFFFFFEB0];
	v8 =	vadd.f32 v8, v2;
	[tilespmem:s22+$0xFFFFFFA0] =	vst v6  }
0x9a: {  	v6 =	vld [tilespmem:s22+$0xFFFFFEA0];
	v9 =	vadd.f32 v9, v5;
	[tilespmem:s22+$0xFFFFFF90] =	vst v7  }
0x9b: {  	v7 =	vld [tilespmem:s22+$0xFFFFFE90];
	v10 =	vadd.f32 v10, v4;
	[tilespmem:s22+$0xFFFFFF80] =	vst v8  }
0x9c: {  	v8 =	vld [tilespmem:s22+$0xFFFFFE80];
	v11 =	vadd.f32 v11, v3;
	[tilespmem:s22+$0xFFFFFF30] =	vst v9  }
0x9d: {  	v9 =	vld [tilespmem:s22+$0xFFFFFE30];
	v12 =	vadd.f32 v12, v2;
	[tilespmem:s22+$0xFFFFFF20] =	vst v10  }
0x9e: {  	v10 =	vld [tilespmem:s22+$0xFFFFFE20];
	v13 =	vadd.f32 v13, v5;
	[tilespmem:s22+$0xFFFFFF10] =	vst v11  }
0x9f: {  	v11 =	vld [tilespmem:s22+$0xFFFFFE10];
	v6 =	vadd.f32 v6, v4;
	[tilespmem:s22+$0xFFFFFF00] =	vst v12  }
0xa0: {  	v12 =	vld [tilespmem:s22+$0xFFFFFE00];
	v7 =	vadd.f32 v7, v3;
	[tilespmem:s22+$0xFFFFFEB0] =	vst v13  }
0xa1: {  	v13 =	vld [tilespmem:s22+$0xFFFFFDB0];
	v8 =	vadd.f32 v8, v2;
	[tilespmem:s22+$0xFFFFFEA0] =	vst v6  }
0xa2: {  	v6 =	vld [tilespmem:s22+$0xFFFFFDA0];
	v9 =	vadd.f32 v9, v5;
	[tilespmem:s22+$0xFFFFFE90] =	vst v7  }
0xa3: {  	v7 =	vld [tilespmem:s22+$0xFFFFFD90];
	v10 =	vadd.f32 v10, v4;
	[tilespmem:s22+$0xFFFFFE80] =	vst v8  }
0xa4: {  	v8 =	vld [tilespmem:s22+$0xFFFFFD80];
	v11 =	vadd.f32 v11, v3;
	[tilespmem:s22+$0xFFFFFE30] =	vst v9  }
0xa5: {  	v9 =	vld [tilespmem:s22+$0xFFFFFD30];
	v12 =	vadd.f32 v12, v2;
	[tilespmem:s22+$0xFFFFFE20] =	vst v10  }
0xa6: {  	v10 =	vld [tilespmem:s22+$0xFFFFFD20];
	v13 =	vadd.f32 v13, v5;
	[tilespmem:s22+$0xFFFFFE10] =	vst v11  }
0xa7: {  	v11 =	vld [tilespmem:s22+$0xFFFFFD10];
	v6 =	vadd.f32 v6, v4;
	[tilespmem:s22+$0xFFFFFE00] =	vst v12  }
0xa8: {  	v12 =	vld [tilespmem:s22+$0xFFFFFD00];
	v7 =	vadd.f32 v7, v3;
	[tilespmem:s22+$0xFFFFFDB0] =	vst v13  }
0xa9: {  	v13 =	vld [tilespmem:s22+$0xFFFFFCB0];
	v8 =	vadd.f32 v8, v2;
	[tilespmem:s22+$0xFFFFFDA0] =	vst v6  }
0xaa: {  	v6 =	vld [tilespmem:s22+$0xFFFFFCA0];
	v9 =	vadd.f32 v9, v5;
	[tilespmem:s22+$0xFFFFFD90] =	vst v7  }
0xab: {  	v7 =	vld [tilespmem:s22+$0xFFFFFC90];
	v10 =	vadd.f32 v10, v4;
	[tilespmem:s22+$0xFFFFFD80] =	vst v8  }
0xac: {  	v8 =	vld [tilespmem:s22+$0xFFFFFC80];
	v11 =	vadd.f32 v11, v3;
	[tilespmem:s22+$0xFFFFFD30] =	vst v9  }
0xad: {  	v9 =	vld [tilespmem:s22+$0xFFFFFC30];
	v12 =	vadd.f32 v12, v2;
	[tilespmem:s22+$0xFFFFFD20] =	vst v10  }
0xae: {  	v10 =	vld [tilespmem:s22+$0xFFFFFC20];
	v13 =	vadd.f32 v13, v5;
	[tilespmem:s22+$0xFFFFFD10] =	vst v11  }
0xaf: {  	v11 =	vld [tilespmem:s22+$0xFFFFFC10];
	v6 =	vadd.f32 v6, v4;
	[tilespmem:s22+$0xFFFFFD00] =	vst v12  }
0xb0: {  	v12 =	vld [tilespmem:s22+$0xFFFFFC00];
	v7 =	vadd.f32 v7, v3;
	[tilespmem:s22+$0xFFFFFCB0] =	vst v13  }
0xb1: {  	v8 =	vadd.f32 v8, v2;
	[tilespmem:s22+$0xFFFFFCA0] =	vst v6  }
.Ltmp2:
0xb2: {  	v5 =	vadd.f32 v9, v5;
	[tilespmem:s22+$0xFFFFFC90] =	vst v7;
	(pc) =	sbr.rel @p0 .LBB2_3-.Ltmp2, $4  }
0xb3: {  	v4 =	vadd.f32 v10, v4;
	[tilespmem:s22+$0xFFFFFC80] =	vst v8  }
0xb4: {  	v3 =	vadd.f32 v11, v3;
	[tilespmem:s22+$0xFFFFFC30] =	vst v5  }
0xb5: {  	v2 =	vadd.f32 v12, v2;
	[tilespmem:s22+$0xFFFFFC20] =	vst v4  }
0xb6: {  	s22 =	sadd.s32 $0x800, s22;
	[tilespmem:s19+$0xFFFFFC10] =	vst v3  }
0xb7: {  	[tilespmem:s19+$0xFFFFFC00] =	vst v2;
	s21 =	sadd.s32 s20, s6;
	s22 =	simm.s32 $0x400  }
0xb8: {  	[tilespmem:s19+$0x3A0] =	vst v1;
	s19 =	simm.s32 $0x10;
	s23 =	simm.s32 $0x480;
	s24 =	sadd.s32 $0x0, s21  }
.LBB2_5:
0xb9: {  	[hbm4b:s24+s2] =	stream.linear.scatter [tilespmem:s22], [sflag:$0x3], $0x40, $0x38;
	[tilespmem:$0x9400] =	vst v63  }
0xba: {  	s24 =	smov.u32 s19;
	s22 =	smov.u32 s23;
	p0 =	sne.s32 s19, $0x7F0  }
.Ltmp3:
0xbb: {  	s19 =	sadd.s32 $0x10, s19;
	(pc) =	sbr.rel @p0 .LBB2_5-.Ltmp3, $2  }
0xbc: {  	_ =	sdelay $0x2  }
0xbd: {  	s23 =	sadd.s32 $0x80, s23;
	s24 =	sadd.s32 s24, s21  }
0xbe: {  	[hbm4b:s24+s2] =	stream.linear.scatter [tilespmem:s22], [sflag:$0x3], $0x40, $0x38;
	[tilespmem:$0x9400] =	vst v63  }
0xbf: {  	p0 =	seq.s32 s18, $0x3  }
0xc0: {  	s19 =	simm.s32 @!p0 $0x3  }
0xc1: {  	_ =	swait.ge @!p0 [sflag:s19], $0x2000  }
0xc2: {  	s21 =	sshll.u32 @!p0 s18, $0x8;
	[sflag:s19] =	ssyncset.done @!p0 $0x0  }
0xc3: {  	[sflag:s19] =	ssyncadd.s32 @!p0 $0xFFFFE000;
	s19 =	sand.u32 @!p0 $0x3FFFFF00, s21  }
0xc4: {  	s22 =	simm.s32 @!p0 $0x400;
	s21 =	simm.s32 @!p0 $0x80;
	s19 =	sadd.s32 @!p0 $0x100, s19  }
0xc5: {  	[tilespmem:s22], [sflag:$0x1] =	stream.indirect.gather @!p0 [hbm4b:s3+s21], $0x80, s19, s21, $0xb8;
	[tilespmem:$0x9400] =	vst v63  }
0xc6: {  	_ =	swait.ge [sflag:s13], $0x4000  }
0xc7: {  	s19 =	sor.u32 $0x800, s20;
	[sflag:s13] =	ssyncset.done $0x0  }
0xc8: {  	s20 =	simm.s32 $0x0;
	s21 =	smov.u32 s17;
	[sflag:s13] =	ssyncadd.s32 $0xFFFFC000  }
.LBB2_7:
0xc9: {  	v3 =	vld [tilespmem:s21+$0xFFFFFFD0]  }
0xca: {  	v2 =	vld [tilespmem:s21+$0xFFFFFFE0]  }
0xcb: {  	v1 =	vld [tilespmem:s21+$0xFFFFFFF0]  }
0xcc: {  	v0 =	vld [tilespmem:s21+$0x0];
	s22 =	sshra.s32 s20, $0x2  }
0xcd: {  	v4 =	vld [tilespmem:s22+$0x4400]  }
0xce: {  	v5 =	vld [tilespmem:s22+$0x4410]  }
0xcf: {  	v6 =	vld [tilespmem:s22+$0x4420]  }
0xd0: {  	v7 =	vld [tilespmem:s22+$0x4430]  }
0xd1: {  	v8 =	vld [tilespmem:s22+$0x4480]  }
0xd2: {  	v9 =	vld [tilespmem:s22+$0x4490];
	v4 =	vadd.f32 v4, v3  }
0xd3: {  	v10 =	vld [tilespmem:s22+$0x44A0];
	v5 =	vadd.f32 v5, v2  }
0xd4: {  	v55 =	vld [tilespmem:s22+$0x44B0];
	v54 =	vadd.f32 v6, v1;
	[tilespmem:s22+$0x4400] =	vst v4  }
0xd5: {  	v57 =	vld [tilespmem:s22+$0x4500];
	v56 =	vadd.f32 v7, v0;
	[tilespmem:s22+$0x4410] =	vst v5  }
0xd6: {  	v59 =	vld [tilespmem:s22+$0x4510];
	v58 =	vadd.f32 v8, v3;
	[tilespmem:s22+$0x4420] =	vst v54  }
0xd7: {  	v61 =	vld [tilespmem:s22+$0x4520];
	v60 =	vadd.f32 v9, v2;
	[tilespmem:s22+$0x4430] =	vst v56  }
0xd8: {  	v63 =	vld [tilespmem:s22+$0x4530];
	v62 =	vadd.f32 v10, v1;
	[tilespmem:s22+$0x4480] =	vst v58  }
0xd9: {  	v12 =	vld [tilespmem:s22+$0x4580];
	v11 =	vadd.f32 v55, v0;
	[tilespmem:s22+$0x4490] =	vst v60  }
0xda: {  	v14 =	vld [tilespmem:s22+$0x4590];
	v13 =	vadd.f32 v57, v3;
	[tilespmem:s22+$0x44A0] =	vst v62  }
0xdb: {  	v16 =	vld [tilespmem:s22+$0x45A0];
	v15 =	vadd.f32 v59, v2;
	[tilespmem:s22+$0x44B0] =	vst v11  }
0xdc: {  	v18 =	vld [tilespmem:s22+$0x45B0];
	v17 =	vadd.f32 v61, v1;
	[tilespmem:s22+$0x4500] =	vst v13  }
0xdd: {  	v20 =	vld [tilespmem:s22+$0x4600];
	v19 =	vadd.f32 v63, v0;
	[tilespmem:s22+$0x4510] =	vst v15  }
0xde: {  	v22 =	vld [tilespmem:s22+$0x4610];
	v21 =	vadd.f32 v12, v3;
	[tilespmem:s22+$0x4520] =	vst v17  }
0xdf: {  	v24 =	vld [tilespmem:s22+$0x4620];
	v23 =	vadd.f32 v14, v2;
	[tilespmem:s22+$0x4530] =	vst v19  }
0xe0: {  	v26 =	vld [tilespmem:s22+$0x4630];
	v25 =	vadd.f32 v16, v1;
	[tilespmem:s22+$0x4580] =	vst v21  }
0xe1: {  	v28 =	vld [tilespmem:s22+$0x4680];
	v27 =	vadd.f32 v18, v0;
	[tilespmem:s22+$0x4590] =	vst v23  }
0xe2: {  	v30 =	vld [tilespmem:s22+$0x4690];
	v29 =	vadd.f32 v20, v3;
	[tilespmem:s22+$0x45A0] =	vst v25  }
0xe3: {  	v32 =	vld [tilespmem:s22+$0x46A0];
	v31 =	vadd.f32 v22, v2;
	[tilespmem:s22+$0x45B0] =	vst v27  }
0xe4: {  	v34 =	vld [tilespmem:s22+$0x46B0];
	v33 =	vadd.f32 v24, v1;
	[tilespmem:s22+$0x4600] =	vst v29  }
0xe5: {  	v36 =	vld [tilespmem:s22+$0x4700];
	v35 =	vadd.f32 v26, v0;
	[tilespmem:s22+$0x4610] =	vst v31  }
0xe6: {  	v38 =	vld [tilespmem:s22+$0x4710];
	v37 =	vadd.f32 v28, v3;
	[tilespmem:s22+$0x4620] =	vst v33  }
0xe7: {  	v40 =	vld [tilespmem:s22+$0x4720];
	v39 =	vadd.f32 v30, v2;
	[tilespmem:s22+$0x4630] =	vst v35  }
0xe8: {  	v42 =	vld [tilespmem:s22+$0x4730];
	v41 =	vadd.f32 v32, v1;
	[tilespmem:s22+$0x4680] =	vst v37  }
0xe9: {  	v44 =	vld [tilespmem:s22+$0x4780];
	v43 =	vadd.f32 v34, v0;
	[tilespmem:s22+$0x4690] =	vst v39  }
0xea: {  	v46 =	vld [tilespmem:s22+$0x4790];
	v45 =	vadd.f32 v36, v3;
	[tilespmem:s22+$0x46A0] =	vst v41  }
0xeb: {  	v48 =	vld [tilespmem:s22+$0x47A0];
	v47 =	vadd.f32 v38, v2;
	[tilespmem:s22+$0x46B0] =	vst v43  }
0xec: {  	v50 =	vld [tilespmem:s22+$0x47B0];
	v49 =	vadd.f32 v40, v1;
	[tilespmem:s22+$0x4700] =	vst v45  }
0xed: {  	v52 =	vld [tilespmem:s22+$0x4800];
	v51 =	vadd.f32 v42, v0;
	[tilespmem:s22+$0x4710] =	vst v47  }
0xee: {  	v53 =	vadd.f32 v44, v3;
	v12 =	vld [tilespmem:s22+$0x48A0];
	[tilespmem:s22+$0x4720] =	vst v49  }
0xef: {  	v55 =	vadd.f32 v46, v2;
	v14 =	vld [tilespmem:s22+$0x48B0];
	[tilespmem:s22+$0x4730] =	vst v51  }
0xf0: {  	v57 =	vadd.f32 v48, v1;
	v16 =	vld [tilespmem:s22+$0x4900];
	[tilespmem:s22+$0x4780] =	vst v53  }
0xf1: {  	v59 =	vadd.f32 v50, v0;
	v18 =	vld [tilespmem:s22+$0x4910];
	[tilespmem:s22+$0x4790] =	vst v55  }
0xf2: {  	v61 =	vadd.f32 v52, v3;
	v20 =	vld [tilespmem:s22+$0x4920];
	[tilespmem:s22+$0x47A0] =	vst v57  }
0xf3: {  	v22 =	vld [tilespmem:s22+$0x4930];
	[tilespmem:s22+$0x47B0] =	vst v59;
	v21 =	vadd.f32 v12, v1  }
0xf4: {  	v24 =	vld [tilespmem:s22+$0x4980];
	[tilespmem:s22+$0x4800] =	vst v61;
	v23 =	vadd.f32 v14, v0  }
0xf5: {  	v26 =	vld [tilespmem:s22+$0x4990];
	v25 =	vadd.f32 v16, v3;
	[tilespmem:s22+$0x48A0] =	vst v21  }
0xf6: {  	v28 =	vld [tilespmem:s22+$0x49A0];
	v27 =	vadd.f32 v18, v2;
	[tilespmem:s22+$0x48B0] =	vst v23  }
0xf7: {  	v30 =	vld [tilespmem:s22+$0x49B0];
	v29 =	vadd.f32 v20, v1;
	[tilespmem:s22+$0x4900] =	vst v25  }
0xf8: {  	v32 =	vld [tilespmem:s22+$0x4A00];
	v31 =	vadd.f32 v22, v0;
	[tilespmem:s22+$0x4910] =	vst v27  }
0xf9: {  	v34 =	vld [tilespmem:s22+$0x4A10];
	v33 =	vadd.f32 v24, v3;
	[tilespmem:s22+$0x4920] =	vst v29  }
0xfa: {  	v36 =	vld [tilespmem:s22+$0x4A20];
	v35 =	vadd.f32 v26, v2;
	[tilespmem:s22+$0x4930] =	vst v31  }
0xfb: {  	v38 =	vld [tilespmem:s22+$0x4A30];
	v37 =	vadd.f32 v28, v1;
	[tilespmem:s22+$0x4980] =	vst v33  }
0xfc: {  	v40 =	vld [tilespmem:s22+$0x4A80];
	v39 =	vadd.f32 v30, v0;
	[tilespmem:s22+$0x4990] =	vst v35  }
0xfd: {  	v42 =	vld [tilespmem:s22+$0x4A90];
	v41 =	vadd.f32 v32, v3;
	[tilespmem:s22+$0x49A0] =	vst v37  }
0xfe: {  	v44 =	vld [tilespmem:s22+$0x4AA0];
	v43 =	vadd.f32 v34, v2;
	[tilespmem:s22+$0x49B0] =	vst v39  }
0xff: {  	v46 =	vld [tilespmem:s22+$0x4AB0];
	v45 =	vadd.f32 v36, v1;
	[tilespmem:s22+$0x4A00] =	vst v41  }
0x100: {  	v48 =	vld [tilespmem:s22+$0x4B00];
	v47 =	vadd.f32 v38, v0;
	[tilespmem:s22+$0x4A10] =	vst v43  }
0x101: {  	v50 =	vld [tilespmem:s22+$0x4B10];
	v49 =	vadd.f32 v40, v3;
	[tilespmem:s22+$0x4A20] =	vst v45  }
0x102: {  	v52 =	vld [tilespmem:s22+$0x4B20];
	v51 =	vadd.f32 v42, v2;
	[tilespmem:s22+$0x4A30] =	vst v47  }
0x103: {  	v54 =	vld [tilespmem:s22+$0x4810];
	v53 =	vadd.f32 v44, v1;
	[tilespmem:s22+$0x4A80] =	vst v49  }
0x104: {  	v56 =	vld [tilespmem:s22+$0x4820];
	v55 =	vadd.f32 v46, v0;
	[tilespmem:s22+$0x4A90] =	vst v51  }
0x105: {  	v58 =	vld [tilespmem:s22+$0x4830];
	v57 =	vadd.f32 v48, v3;
	[tilespmem:s22+$0x4AA0] =	vst v53  }
0x106: {  	v60 =	vld [tilespmem:s22+$0x4880];
	v59 =	vadd.f32 v50, v2;
	[tilespmem:s22+$0x4AB0] =	vst v55  }
0x107: {  	v62 =	vld [tilespmem:s22+$0x4890];
	v61 =	vadd.f32 v52, v1;
	[tilespmem:s22+$0x4B00] =	vst v57  }
0x108: {  	v63 =	vadd.f32 v54, v2;
	v54 =	vld [tilespmem:s22+$0x4B30];
	[tilespmem:s22+$0x4B10] =	vst v59  }
0x109: {  	v13 =	vadd.f32 v56, v1;
	v56 =	vld [tilespmem:s22+$0x4B80];
	[tilespmem:s22+$0x4B20] =	vst v61  }
0x10a: {  	v15 =	vadd.f32 v58, v0;
	v58 =	vld [tilespmem:s22+$0x4B90];
	[tilespmem:s22+$0x4810] =	vst v63  }
0x10b: {  	v17 =	vadd.f32 v60, v3;
	v60 =	vld [tilespmem:s22+$0x4BA0];
	[tilespmem:s22+$0x4820] =	vst v13  }
0x10c: {  	v19 =	vadd.f32 v62, v2;
	v62 =	vld [tilespmem:s22+$0x4BB0];
	[tilespmem:s22+$0x4830] =	vst v15  }
0x10d: {  	[tilespmem:s22+$0x4880] =	vst v17;
	v63 =	vadd.f32 v54, v0  }
0x10e: {  	p1 =	sne.s32 s20, $0xE000;
	[tilespmem:s22+$0x4890] =	vst v19;
	v3 =	vadd.f32 v56, v3  }
.Ltmp4:
0x10f: {  	v2 =	vadd.f32 v58, v2;
	[tilespmem:s22+$0x4B30] =	vst v63;
	(pc) =	sbr.rel @p1 .LBB2_7-.Ltmp4, $4  }
0x110: {  	v1 =	vadd.f32 v60, v1;
	[tilespmem:s22+$0x4B80] =	vst v3  }
0x111: {  	v0 =	vadd.f32 v62, v0;
	[tilespmem:s22+$0x4B90] =	vst v2  }
0x112: {  	[tilespmem:s22+$0x4BA0] =	vst v1  }
0x113: {  	s21 =	sadd.s32 $0x40, s21;
	s20 =	sadd.s32 $0x2000, s20;
	[tilespmem:s22+$0x4BB0] =	vst v0  }
0x114: {  	s19 =	sadd.s32 s19, s6;
	s20 =	simm.s32 $0x4400  }
0x115: {  	s21 =	simm.s32 $0x10;
	s22 =	simm.s32 $0x4480;
	s23 =	sadd.s32 $0x0, s19  }
.LBB2_9:
0x116: {  	[hbm4b:s23+s2] =	stream.linear.scatter [tilespmem:s20], [sflag:$0x3], $0x40, $0x38;
	[tilespmem:$0x9400] =	vst v63  }
0x117: {  	s23 =	smov.u32 s21;
	s20 =	smov.u32 s22;
	p1 =	sne.s32 s21, $0x7F0  }
.Ltmp5:
0x118: {  	s21 =	sadd.s32 $0x10, s21;
	(pc) =	sbr.rel @p1 .LBB2_9-.Ltmp5, $2  }
0x119: {  	_ =	sdelay $0x2  }
0x11a: {  	s22 =	sadd.s32 $0x80, s22;
	s23 =	sadd.s32 s23, s19  }
.Ltmp6:
0x11b: {  	(pc) =	sbr.rel @p0 .LBB2_12-.Ltmp6, $4  }
0x11c: {  	[hbm4b:s23+s2] =	stream.linear.scatter [tilespmem:s20], [sflag:$0x3], $0x40, $0x38;
	[tilespmem:$0x9400] =	vst v63  }
0x11d: {  	_ =	swait.ge [sflag:s14], $0x2000  }
0x11e: {  	[sflag:s14] =	ssyncset.done $0x0  }
0x11f: {  	[sflag:s14] =	ssyncadd.s32 $0xFFFFE000  }
.Ltmp7:
0x120: {  	(pc) =	sbr.rel .LBB2_2-.Ltmp7, $4  }
0x121: {  	s19 =	sshll.u32 s18, $0x8  }
0x122: {  	s18 =	sadd.s32 $0x1, s18;
	s19 =	sand.u32 $0x3FFFFF00, s19  }
0x123: {  	s16 =	sadd.s32 $0x400, s16;
	s17 =	sadd.s32 $0x400, s17;
	s19 =	sadd.s32 $0x180, s19  }
0x124: {  	[tilespmem:s11], [sflag:$0x2] =	stream.indirect.gather [hbm4b:s3+s9], $0x80, s19, s9, $0xb8;
	[tilespmem:$0x9400] =	vst v63  }
.LBB2_13:
0x125: {  	_ =	sfence.sel $0x180000  }
0x126: {  	[bflag:$0x0] =	sbarrier.arrive $0xFFFF  }
0x127: {  	p0 =	sne.s32 s0, $0x0;
	_ =	strace $0x90000047  }
0x128: {  	s0 =	sadd.s32 @!p0 $0x100000, s1;
	[bflag:$0x2] =	sbarrier.arrive $0xFFFF  }
0x129: {  	[sflag:s0] =	ssyncadd.tile.s32 @!p0 $0x1;
	_ =	shalt  }
.Lfunc_end2:
_tile_overlayer_lowered:
.L_overlay_start_2:
0x12a: {  	(tag) =	ssettag $0x2  }
0x12b: {  	s0 =	rddreg [dreg:$0x0];
	s2 =	stileid.u32  }
0x12c: {  	s1 =	rddreg [dreg:$0x1];
	p0 =	sne.s32 s2, $0x0  }
0x12d: {  	s3 =	rddreg [dreg:$0x2];
	[bflag:$0x3] =	sbarrier.arrive $0xFFFF;
	s2 =	simm.s32 @!p0 $0x1C04  }
0x12e: {  	[timem:s3], [sflag:s2] =	dma.local @!p0 [hbm:s0], s1  }
0x12f: {  	s0 =	simm.s32 @!p0 $0x4  }
0x130: {  	_ =	swait.ge @!p0 [sflag:s0], s1  }
0x131: {  	s1 =	ssub.s32 @!p0 $0x0, s1;
	[sflag:s0] =	ssyncset.done @!p0 $0x0  }
0x132: {  	[sflag:s0] =	ssyncadd.s32 @!p0 s1  }
0x133: {  	[bflag:$0x3] =	sbarrier.arrive $0xFFFF  }
0x134: {  	_ =	shalt  }

</sc_bundles>
